<compile_context>
chip_gen: v7x
topology: tpu7x:2x2x1
jax: 0.10.2.dev20260603
libtpu: 0.0.44.dev20260713+nightly
codegen_flags: <defaults>
</compile_context>

<pallas_src>
import jax
import jax.numpy as jnp
from jax import lax
from jax.experimental import pallas as pl
from jax.experimental.pallas import tpu as pltpu
from jax.experimental.pallas import tpu_sc as plsc

_NC = 2
_NS = 16
_NW = _NC * _NS
_B = 16384
_BPW = _B // _NW
_D = 16
_CH = 128
_NCH = _BPW // _CH


def _dice_body(uid_hbm, iid_hbm, uint_hbm, iint_hbm, upop_hbm, ipop_hbm,
               out_hbm, uid_v, iid_v, ui_v, ii_v, up_v, ip_v, out_v, sem):
    wid = lax.axis_index("s") * _NC + lax.axis_index("c")
    base = wid * _BPW

    pltpu.sync_copy(uid_hbm.at[pl.ds(base, _BPW)], uid_v)
    pltpu.sync_copy(iid_hbm.at[pl.ds(base, _BPW)], iid_v)

    copies = []
    for j in range(_NCH):
        isl = pl.ds(j * _CH, _CH)
        copies.append(pltpu.async_copy(uint_hbm.at[uid_v.at[isl]], ui_v.at[isl], sem))
        copies.append(pltpu.async_copy(iint_hbm.at[iid_v.at[isl]], ii_v.at[isl], sem))
        copies.append(pltpu.async_copy(upop_hbm.at[uid_v.at[isl]], up_v.at[isl], sem))
        copies.append(pltpu.async_copy(ipop_hbm.at[iid_v.at[isl]], ip_v.at[isl], sem))
    for c in copies:
        c.wait()

    def block_body(b, carry):
        rows = b * 16 + lax.iota(jnp.int32, 16)
        acc = jnp.zeros((16,), jnp.float32)
        for d in range(_D):
            col = jnp.full((16,), d, jnp.int32)
            acc += plsc.load_gather(ui_v, [rows, col]) * plsc.load_gather(ii_v, [rows, col])
            acc += plsc.load_gather(up_v, [rows, col]) * plsc.load_gather(ip_v, [rows, col])
        out_v[pl.ds(b * 16, 16)] = acc
        return carry

    lax.fori_loop(0, _BPW // 16, block_body, 0)

    pltpu.sync_copy(out_v, out_hbm.at[pl.ds(base, _BPW)])


def kernel(uid_batch, iid_batch, user_int, item_int, user_pop, item_pop):
    f = pl.kernel(
        _dice_body,
        mesh=plsc.VectorSubcoreMesh(core_axis_name="c", subcore_axis_name="s"),
        out_type=jax.ShapeDtypeStruct((_B,), jnp.float32),
        scratch_types=[
            pltpu.VMEM((_BPW,), jnp.int32),
            pltpu.VMEM((_BPW,), jnp.int32),
            pltpu.VMEM((_BPW, _D), jnp.float32),
            pltpu.VMEM((_BPW, _D), jnp.float32),
            pltpu.VMEM((_BPW, _D), jnp.float32),
            pltpu.VMEM((_BPW, _D), jnp.float32),
            pltpu.VMEM((_BPW,), jnp.float32),
            pltpu.SemaphoreType.DMA,
        ],
        compiler_params=pltpu.CompilerParams(
            needs_layout_passes=False, use_tc_tiling_on_sc=False),
    )
    return f(uid_batch.astype(jnp.int32), iid_batch.astype(jnp.int32),
             user_int, item_int, user_pop, item_pop)

# --- scband reference (transcript-rebuilt; emitter-appended) ---
"""Pipeline reference for scband-dice-55087250538562 (READ-ONLY COPY).

The authoritative reference and input builder live on the scoring server;
editing this copy changes nothing except your own understanding.
"""

import jax, jax.numpy as jnp
import numpy as np

NUM_USERS = 1000000
NUM_ITEMS = 1000000
DIM = 32
BATCH = 16384


def setup_inputs(seed: int = 0) -> dict:
    key = jax.random.key(seed)
    k1, k2, k3, k4, k5, k6 = jax.random.split(key, 6)
    uid_batch = jax.random.randint(k1, (BATCH,), 0, NUM_USERS, dtype=jnp.int64 if jax.config.jax_enable_x64 else jnp.int32)
    iid_batch = jax.random.randint(k2, (BATCH,), 0, NUM_ITEMS, dtype=jnp.int64 if jax.config.jax_enable_x64 else jnp.int32)
    user_int = jax.random.normal(k3, (NUM_USERS, DIM // 2), dtype=jnp.float32)
    item_int = jax.random.normal(k4, (NUM_ITEMS, DIM // 2), dtype=jnp.float32)
    user_pop = jax.random.normal(k5, (NUM_USERS, DIM // 2), dtype=jnp.float32)
    item_pop = jax.random.normal(k6, (NUM_ITEMS, DIM // 2), dtype=jnp.float32)
    return {
        "uid_batch": uid_batch,
        "iid_batch": iid_batch,
        "user_int": user_int,
        "item_int": item_int,
        "user_pop": user_pop,
        "item_pop": item_pop,
    }


def reference(uid_batch, iid_batch, user_int, item_int, user_pop, item_pop):
    # cal_int: gather user/item interest embeddings, per-example dot product
    u_int = jnp.take(user_int, uid_batch, axis=0)
    i_int = jnp.take(item_int, iid_batch, axis=0)
    score_int = jnp.sum(u_int * i_int, axis=1)
    # cal_pop: gather user/item popularity embeddings, per-example dot product
    u_pop = jnp.take(user_pop, uid_batch, axis=0)
    i_pop = jnp.take(item_pop, iid_batch, axis=0)
    score_pop = jnp.sum(u_pop * i_pop, axis=1)
    # DICE total click score = interest score + popularity (conformity) score
    return score_int + score_pop

if __name__ == "__main__":
    import jax
    _d = setup_inputs()
    print(jax.jit(kernel)(*tuple(_d.values())))

</pallas_src>

<mosaic_0001>
#map = affine_map<(d0, d1) -> (0)>
#map1 = affine_map<(d0, d1) -> (0, 0)>
module attributes {stable_mosaic.version = 14 : i64} {
  func.func @_dice_body(%arg0: i32, %arg1: i32, %arg2: memref<16384xi32, #tpu.memory_space<hbm>>, %arg3: memref<16384xi32, #tpu.memory_space<hbm>>, %arg4: memref<1000000x16xf32, #tpu.memory_space<hbm>>, %arg5: memref<1000000x16xf32, #tpu.memory_space<hbm>>, %arg6: memref<1000000x16xf32, #tpu.memory_space<hbm>>, %arg7: memref<1000000x16xf32, #tpu.memory_space<hbm>>, %arg8: memref<16384xf32, #tpu.memory_space<hbm>>, %arg9: memref<512xi32, #tpu.memory_space<vmem>>, %arg10: memref<512xi32, #tpu.memory_space<vmem>>, %arg11: memref<512x16xf32, #tpu.memory_space<vmem>>, %arg12: memref<512x16xf32, #tpu.memory_space<vmem>>, %arg13: memref<512x16xf32, #tpu.memory_space<vmem>>, %arg14: memref<512x16xf32, #tpu.memory_space<vmem>>, %arg15: memref<512xf32, #tpu.memory_space<vmem>>, %arg16: memref<!tpu.dma_semaphore, #tpu.memory_space<semaphore_mem>>) attributes {dimension_semantics = [#tpu.dimension_semantics<core_parallel>, #tpu.dimension_semantics<subcore_parallel>], iteration_bounds = array<i64: 2, 16>, scalar_prefetch = 0 : i64, scratch_operands = 8 : i64, tpu.core_type = #tpu.core_type<sc_vector_subcore>, window_params = [{transform_indices = #map}, {transform_indices = #map}, {transform_indices = #map1}, {transform_indices = #map1}, {transform_indices = #map1}, {transform_indices = #map1}, {transform_indices = #map}]} {
    %mul3A = arith.constant 2 : i32
    %mul3A_0 = arith.muli %arg1, %mul3A : i32
    %add3A = arith.addi %mul3A_0, %arg0 : i32
    %mul3A_1 = arith.constant 512 : i32
    %mul3A_2 = arith.muli %add3A, %mul3A_1 : i32
    "tpu.region"() ({
      %run_scoped3A = tpu.sem_alloc : memref<!tpu.dma_semaphore, #tpu.memory_space<semaphore_mem>>
      %dma_start3A_262 = tpu.memref_slice %arg2[%mul3A_2] : memref<16384xi32, #tpu.memory_space<hbm>> -> memref<512xi32, #tpu.memory_space<hbm>>
      %dma_start3A_263 = tpu.memref_slice %arg2[%mul3A_2] : memref<16384xi32, #tpu.memory_space<hbm>> -> memref<512xi32, #tpu.memory_space<hbm>>
      tpu.enqueue_dma source(%dma_start3A_263 : memref<512xi32, #tpu.memory_space<hbm>>) target(%arg9 : memref<512xi32, #tpu.memory_space<vmem>>) target_semaphore(%run_scoped3A : memref<!tpu.dma_semaphore, #tpu.memory_space<semaphore_mem>>)
      %dma_wait3A_264 = tpu.memref_slice %arg2[%mul3A_2] : memref<16384xi32, #tpu.memory_space<hbm>> -> memref<512xi32, #tpu.memory_space<hbm>>
      %dma_wait3A_265 = tpu.memref_slice %arg2[%mul3A_2] : memref<16384xi32, #tpu.memory_space<hbm>> -> memref<512xi32, #tpu.memory_space<hbm>>
      tpu.wait_dma2 semaphore(%run_scoped3A : memref<!tpu.dma_semaphore, #tpu.memory_space<semaphore_mem>>) src(%dma_wait3A_265 : memref<512xi32, #tpu.memory_space<hbm>>) dst(%arg9 : memref<512xi32, #tpu.memory_space<vmem>>)
      tpu.yield
    }) : () -> ()
    "tpu.region"() ({
      %run_scoped3A = tpu.sem_alloc : memref<!tpu.dma_semaphore, #tpu.memory_space<semaphore_mem>>
      %dma_start3A_262 = tpu.memref_slice %arg3[%mul3A_2] : memref<16384xi32, #tpu.memory_space<hbm>> -> memref<512xi32, #tpu.memory_space<hbm>>
      %dma_start3A_263 = tpu.memref_slice %arg3[%mul3A_2] : memref<16384xi32, #tpu.memory_space<hbm>> -> memref<512xi32, #tpu.memory_space<hbm>>
      tpu.enqueue_dma source(%dma_start3A_263 : memref<512xi32, #tpu.memory_space<hbm>>) target(%arg10 : memref<512xi32, #tpu.memory_space<vmem>>) target_semaphore(%run_scoped3A : memref<!tpu.dma_semaphore, #tpu.memory_space<semaphore_mem>>)
      %dma_wait3A_264 = tpu.memref_slice %arg3[%mul3A_2] : memref<16384xi32, #tpu.memory_space<hbm>> -> memref<512xi32, #tpu.memory_space<hbm>>
      %dma_wait3A_265 = tpu.memref_slice %arg3[%mul3A_2] : memref<16384xi32, #tpu.memory_space<hbm>> -> memref<512xi32, #tpu.memory_space<hbm>>
      tpu.wait_dma2 semaphore(%run_scoped3A : memref<!tpu.dma_semaphore, #tpu.memory_space<semaphore_mem>>) src(%dma_wait3A_265 : memref<512xi32, #tpu.memory_space<hbm>>) dst(%arg10 : memref<512xi32, #tpu.memory_space<vmem>>)
      tpu.yield
    }) : () -> ()
    %dma_start3A = arith.constant 0 : i32
    %dma_start3A_3 = arith.constant 0 : i32
    %dma_start3A_4 = tpu.memref_slice %arg11[%dma_start3A, %dma_start3A_3] : memref<512x16xf32, #tpu.memory_space<vmem>> -> memref<128x16xf32, #tpu.memory_space<vmem>>
    %dma_start3A_5 = arith.constant 0 : i32
    %dma_start3A_6 = tpu.memref_slice %arg9[%dma_start3A_5] : memref<512xi32, #tpu.memory_space<vmem>> -> memref<128xi32, #tpu.memory_space<vmem>>
    %dma_start3A_7 = arith.constant 0 : i32
    %dma_start3A_8 = arith.constant 0 : i32
    %dma_start3A_9 = tpu.memref_slice %arg4[%dma_start3A_7, %dma_start3A_8] : memref<1000000x16xf32, #tpu.memory_space<hbm>> -> memref<1000000x16xf32, #tpu.memory_space<hbm>>
    tpu.enqueue_indirect_dma source(%dma_start3A_9 : memref<1000000x16xf32, #tpu.memory_space<hbm>>) target(%dma_start3A_4 : memref<128x16xf32, #tpu.memory_space<vmem>>) offsets(%dma_start3A_6 : memref<128xi32, #tpu.memory_space<vmem>>) semaphore(%arg16 : memref<!tpu.dma_semaphore, #tpu.memory_space<semaphore_mem>>)
    %dma_start3A_10 = arith.constant 0 : i32
    %dma_start3A_11 = arith.constant 0 : i32
    %dma_start3A_12 = tpu.memref_slice %arg12[%dma_start3A_10, %dma_start3A_11] : memref<512x16xf32, #tpu.memory_space<vmem>> -> memref<128x16xf32, #tpu.memory_space<vmem>>
    %dma_start3A_13 = arith.constant 0 : i32
    %dma_start3A_14 = tpu.memref_slice %arg10[%dma_start3A_13] : memref<512xi32, #tpu.memory_space<vmem>> -> memref<128xi32, #tpu.memory_space<vmem>>
    %dma_start3A_15 = arith.constant 0 : i32
    %dma_start3A_16 = arith.constant 0 : i32
    %dma_start3A_17 = tpu.memref_slice %arg5[%dma_start3A_15, %dma_start3A_16] : memref<1000000x16xf32, #tpu.memory_space<hbm>> -> memref<1000000x16xf32, #tpu.memory_space<hbm>>
    tpu.enqueue_indirect_dma source(%dma_start3A_17 : memref<1000000x16xf32, #tpu.memory_space<hbm>>) target(%dma_start3A_12 : memref<128x16xf32, #tpu.memory_space<vmem>>) offsets(%dma_start3A_14 : memref<128xi32, #tpu.memory_space<vmem>>) semaphore(%arg16 : memref<!tpu.dma_semaphore, #tpu.memory_space<semaphore_mem>>)
    %dma_start3A_18 = arith.constant 0 : i32
    %dma_start3A_19 = arith.constant 0 : i32
    %dma_start3A_20 = tpu.memref_slice %arg13[%dma_start3A_18, %dma_start3A_19] : memref<512x16xf32, #tpu.memory_space<vmem>> -> memref<128x16xf32, #tpu.memory_space<vmem>>
    %dma_start3A_21 = arith.constant 0 : i32
    %dma_start3A_22 = tpu.memref_slice %arg9[%dma_start3A_21] : memref<512xi32, #tpu.memory_space<vmem>> -> memref<128xi32, #tpu.memory_space<vmem>>
    %dma_start3A_23 = arith.constant 0 : i32
    %dma_start3A_24 = arith.constant 0 : i32
    %dma_start3A_25 = tpu.memref_slice %arg6[%dma_start3A_23, %dma_start3A_24] : memref<1000000x16xf32, #tpu.memory_space<hbm>> -> memref<1000000x16xf32, #tpu.memory_space<hbm>>
    tpu.enqueue_indirect_dma source(%dma_start3A_25 : memref<1000000x16xf32, #tpu.memory_space<hbm>>) target(%dma_start3A_20 : memref<128x16xf32, #tpu.memory_space<vmem>>) offsets(%dma_start3A_22 : memref<128xi32, #tpu.memory_space<vmem>>) semaphore(%arg16 : memref<!tpu.dma_semaphore, #tpu.memory_space<semaphore_mem>>)
    %dma_start3A_26 = arith.constant 0 : i32
    %dma_start3A_27 = arith.constant 0 : i32
    %dma_start3A_28 = tpu.memref_slice %arg14[%dma_start3A_26, %dma_start3A_27] : memref<512x16xf32, #tpu.memory_space<vmem>> -> memref<128x16xf32, #tpu.memory_space<vmem>>
    %dma_start3A_29 = arith.constant 0 : i32
    %dma_start3A_30 = tpu.memref_slice %arg10[%dma_start3A_29] : memref<512xi32, #tpu.memory_space<vmem>> -> memref<128xi32, #tpu.memory_space<vmem>>
    %dma_start3A_31 = arith.constant 0 : i32
    %dma_start3A_32 = arith.constant 0 : i32
    %dma_start3A_33 = tpu.memref_slice %arg7[%dma_start3A_31, %dma_start3A_32] : memref<1000000x16xf32, #tpu.memory_space<hbm>> -> memref<1000000x16xf32, #tpu.memory_space<hbm>>
    tpu.enqueue_indirect_dma source(%dma_start3A_33 : memref<1000000x16xf32, #tpu.memory_space<hbm>>) target(%dma_start3A_28 : memref<128x16xf32, #tpu.memory_space<vmem>>) offsets(%dma_start3A_30 : memref<128xi32, #tpu.memory_space<vmem>>) semaphore(%arg16 : memref<!tpu.dma_semaphore, #tpu.memory_space<semaphore_mem>>)
    %dma_start3A_34 = arith.constant 128 : i32
    %dma_start3A_35 = arith.constant 0 : i32
    %dma_start3A_36 = tpu.memref_slice %arg11[%dma_start3A_34, %dma_start3A_35] : memref<512x16xf32, #tpu.memory_space<vmem>> -> memref<128x16xf32, #tpu.memory_space<vmem>>
    %dma_start3A_37 = arith.constant 128 : i32
    %dma_start3A_38 = tpu.memref_slice %arg9[%dma_start3A_37] : memref<512xi32, #tpu.memory_space<vmem>> -> memref<128xi32, #tpu.memory_space<vmem>>
    %dma_start3A_39 = arith.constant 0 : i32
    %dma_start3A_40 = arith.constant 0 : i32
    %dma_start3A_41 = tpu.memref_slice %arg4[%dma_start3A_39, %dma_start3A_40] : memref<1000000x16xf32, #tpu.memory_space<hbm>> -> memref<1000000x16xf32, #tpu.memory_space<hbm>>
    tpu.enqueue_indirect_dma source(%dma_start3A_41 : memref<1000000x16xf32, #tpu.memory_space<hbm>>) target(%dma_start3A_36 : memref<128x16xf32, #tpu.memory_space<vmem>>) offsets(%dma_start3A_38 : memref<128xi32, #tpu.memory_space<vmem>>) semaphore(%arg16 : memref<!tpu.dma_semaphore, #tpu.memory_space<semaphore_mem>>)
    %dma_start3A_42 = arith.constant 128 : i32
    %dma_start3A_43 = arith.constant 0 : i32
    %dma_start3A_44 = tpu.memref_slice %arg12[%dma_start3A_42, %dma_start3A_43] : memref<512x16xf32, #tpu.memory_space<vmem>> -> memref<128x16xf32, #tpu.memory_space<vmem>>
    %dma_start3A_45 = arith.constant 128 : i32
    %dma_start3A_46 = tpu.memref_slice %arg10[%dma_start3A_45] : memref<512xi32, #tpu.memory_space<vmem>> -> memref<128xi32, #tpu.memory_space<vmem>>
    %dma_start3A_47 = arith.constant 0 : i32
    %dma_start3A_48 = arith.constant 0 : i32
    %dma_start3A_49 = tpu.memref_slice %arg5[%dma_start3A_47, %dma_start3A_48] : memref<1000000x16xf32, #tpu.memory_space<hbm>> -> memref<1000000x16xf32, #tpu.memory_space<hbm>>
    tpu.enqueue_indirect_dma source(%dma_start3A_49 : memref<1000000x16xf32, #tpu.memory_space<hbm>>) target(%dma_start3A_44 : memref<128x16xf32, #tpu.memory_space<vmem>>) offsets(%dma_start3A_46 : memref<128xi32, #tpu.memory_space<vmem>>) semaphore(%arg16 : memref<!tpu.dma_semaphore, #tpu.memory_space<semaphore_mem>>)
    %dma_start3A_50 = arith.constant 128 : i32
    %dma_start3A_51 = arith.constant 0 : i32
    %dma_start3A_52 = tpu.memref_slice %arg13[%dma_start3A_50, %dma_start3A_51] : memref<512x16xf32, #tpu.memory_space<vmem>> -> memref<128x16xf32, #tpu.memory_space<vmem>>
    %dma_start3A_53 = arith.constant 128 : i32
    %dma_start3A_54 = tpu.memref_slice %arg9[%dma_start3A_53] : memref<512xi32, #tpu.memory_space<vmem>> -> memref<128xi32, #tpu.memory_space<vmem>>
    %dma_start3A_55 = arith.constant 0 : i32
    %dma_start3A_56 = arith.constant 0 : i32
    %dma_start3A_57 = tpu.memref_slice %arg6[%dma_start3A_55, %dma_start3A_56] : memref<1000000x16xf32, #tpu.memory_space<hbm>> -> memref<1000000x16xf32, #tpu.memory_space<hbm>>
    tpu.enqueue_indirect_dma source(%dma_start3A_57 : memref<1000000x16xf32, #tpu.memory_space<hbm>>) target(%dma_start3A_52 : memref<128x16xf32, #tpu.memory_space<vmem>>) offsets(%dma_start3A_54 : memref<128xi32, #tpu.memory_space<vmem>>) semaphore(%arg16 : memref<!tpu.dma_semaphore, #tpu.memory_space<semaphore_mem>>)
    %dma_start3A_58 = arith.constant 128 : i32
    %dma_start3A_59 = arith.constant 0 : i32
    %dma_start3A_60 = tpu.memref_slice %arg14[%dma_start3A_58, %dma_start3A_59] : memref<512x16xf32, #tpu.memory_space<vmem>> -> memref<128x16xf32, #tpu.memory_space<vmem>>
    %dma_start3A_61 = arith.constant 128 : i32
    %dma_start3A_62 = tpu.memref_slice %arg10[%dma_start3A_61] : memref<512xi32, #tpu.memory_space<vmem>> -> memref<128xi32, #tpu.memory_space<vmem>>
    %dma_start3A_63 = arith.constant 0 : i32
    %dma_start3A_64 = arith.constant 0 : i32
    %dma_start3A_65 = tpu.memref_slice %arg7[%dma_start3A_63, %dma_start3A_64] : memref<1000000x16xf32, #tpu.memory_space<hbm>> -> memref<1000000x16xf32, #tpu.memory_space<hbm>>
    tpu.enqueue_indirect_dma source(%dma_start3A_65 : memref<1000000x16xf32, #tpu.memory_space<hbm>>) target(%dma_start3A_60 : memref<128x16xf32, #tpu.memory_space<vmem>>) offsets(%dma_start3A_62 : memref<128xi32, #tpu.memory_space<vmem>>) semaphore(%arg16 : memref<!tpu.dma_semaphore, #tpu.memory_space<semaphore_mem>>)
    %dma_start3A_66 = arith.constant 256 : i32
    %dma_start3A_67 = arith.constant 0 : i32
    %dma_start3A_68 = tpu.memref_slice %arg11[%dma_start3A_66, %dma_start3A_67] : memref<512x16xf32, #tpu.memory_space<vmem>> -> memref<128x16xf32, #tpu.memory_space<vmem>>
    %dma_start3A_69 = arith.constant 256 : i32
    %dma_start3A_70 = tpu.memref_slice %arg9[%dma_start3A_69] : memref<512xi32, #tpu.memory_space<vmem>> -> memref<128xi32, #tpu.memory_space<vmem>>
    %dma_start3A_71 = arith.constant 0 : i32
    %dma_start3A_72 = arith.constant 0 : i32
    %dma_start3A_73 = tpu.memref_slice %arg4[%dma_start3A_71, %dma_start3A_72] : memref<1000000x16xf32, #tpu.memory_space<hbm>> -> memref<1000000x16xf32, #tpu.memory_space<hbm>>
    tpu.enqueue_indirect_dma source(%dma_start3A_73 : memref<1000000x16xf32, #tpu.memory_space<hbm>>) target(%dma_start3A_68 : memref<128x16xf32, #tpu.memory_space<vmem>>) offsets(%dma_start3A_70 : memref<128xi32, #tpu.memory_space<vmem>>) semaphore(%arg16 : memref<!tpu.dma_semaphore, #tpu.memory_space<semaphore_mem>>)
    %dma_start3A_74 = arith.constant 256 : i32
    %dma_start3A_75 = arith.constant 0 : i32
    %dma_start3A_76 = tpu.memref_slice %arg12[%dma_start3A_74, %dma_start3A_75] : memref<512x16xf32, #tpu.memory_space<vmem>> -> memref<128x16xf32, #tpu.memory_space<vmem>>
    %dma_start3A_77 = arith.constant 256 : i32
    %dma_start3A_78 = tpu.memref_slice %arg10[%dma_start3A_77] : memref<512xi32, #tpu.memory_space<vmem>> -> memref<128xi32, #tpu.memory_space<vmem>>
    %dma_start3A_79 = arith.constant 0 : i32
    %dma_start3A_80 = arith.constant 0 : i32
    %dma_start3A_81 = tpu.memref_slice %arg5[%dma_start3A_79, %dma_start3A_80] : memref<1000000x16xf32, #tpu.memory_space<hbm>> -> memref<1000000x16xf32, #tpu.memory_space<hbm>>
    tpu.enqueue_indirect_dma source(%dma_start3A_81 : memref<1000000x16xf32, #tpu.memory_space<hbm>>) target(%dma_start3A_76 : memref<128x16xf32, #tpu.memory_space<vmem>>) offsets(%dma_start3A_78 : memref<128xi32, #tpu.memory_space<vmem>>) semaphore(%arg16 : memref<!tpu.dma_semaphore, #tpu.memory_space<semaphore_mem>>)
    %dma_start3A_82 = arith.constant 256 : i32
    %dma_start3A_83 = arith.constant 0 : i32
    %dma_start3A_84 = tpu.memref_slice %arg13[%dma_start3A_82, %dma_start3A_83] : memref<512x16xf32, #tpu.memory_space<vmem>> -> memref<128x16xf32, #tpu.memory_space<vmem>>
    %dma_start3A_85 = arith.constant 256 : i32
    %dma_start3A_86 = tpu.memref_slice %arg9[%dma_start3A_85] : memref<512xi32, #tpu.memory_space<vmem>> -> memref<128xi32, #tpu.memory_space<vmem>>
    %dma_start3A_87 = arith.constant 0 : i32
    %dma_start3A_88 = arith.constant 0 : i32
    %dma_start3A_89 = tpu.memref_slice %arg6[%dma_start3A_87, %dma_start3A_88] : memref<1000000x16xf32, #tpu.memory_space<hbm>> -> memref<1000000x16xf32, #tpu.memory_space<hbm>>
    tpu.enqueue_indirect_dma source(%dma_start3A_89 : memref<1000000x16xf32, #tpu.memory_space<hbm>>) target(%dma_start3A_84 : memref<128x16xf32, #tpu.memory_space<vmem>>) offsets(%dma_start3A_86 : memref<128xi32, #tpu.memory_space<vmem>>) semaphore(%arg16 : memref<!tpu.dma_semaphore, #tpu.memory_space<semaphore_mem>>)
    %dma_start3A_90 = arith.constant 256 : i32
    %dma_start3A_91 = arith.constant 0 : i32
    %dma_start3A_92 = tpu.memref_slice %arg14[%dma_start3A_90, %dma_start3A_91] : memref<512x16xf32, #tpu.memory_space<vmem>> -> memref<128x16xf32, #tpu.memory_space<vmem>>
    %dma_start3A_93 = arith.constant 256 : i32
    %dma_start3A_94 = tpu.memref_slice %arg10[%dma_start3A_93] : memref<512xi32, #tpu.memory_space<vmem>> -> memref<128xi32, #tpu.memory_space<vmem>>
    %dma_start3A_95 = arith.constant 0 : i32
    %dma_start3A_96 = arith.constant 0 : i32
    %dma_start3A_97 = tpu.memref_slice %arg7[%dma_start3A_95, %dma_start3A_96] : memref<1000000x16xf32, #tpu.memory_space<hbm>> -> memref<1000000x16xf32, #tpu.memory_space<hbm>>
    tpu.enqueue_indirect_dma source(%dma_start3A_97 : memref<1000000x16xf32, #tpu.memory_space<hbm>>) target(%dma_start3A_92 : memref<128x16xf32, #tpu.memory_space<vmem>>) offsets(%dma_start3A_94 : memref<128xi32, #tpu.memory_space<vmem>>) semaphore(%arg16 : memref<!tpu.dma_semaphore, #tpu.memory_space<semaphore_mem>>)
    %dma_start3A_98 = arith.constant 384 : i32
    %dma_start3A_99 = arith.constant 0 : i32
    %dma_start3A_100 = tpu.memref_slice %arg11[%dma_start3A_98, %dma_start3A_99] : memref<512x16xf32, #tpu.memory_space<vmem>> -> memref<128x16xf32, #tpu.memory_space<vmem>>
    %dma_start3A_101 = arith.constant 384 : i32
    %dma_start3A_102 = tpu.memref_slice %arg9[%dma_start3A_101] : memref<512xi32, #tpu.memory_space<vmem>> -> memref<128xi32, #tpu.memory_space<vmem>>
    %dma_start3A_103 = arith.constant 0 : i32
    %dma_start3A_104 = arith.constant 0 : i32
    %dma_start3A_105 = tpu.memref_slice %arg4[%dma_start3A_103, %dma_start3A_104] : memref<1000000x16xf32, #tpu.memory_space<hbm>> -> memref<1000000x16xf32, #tpu.memory_space<hbm>>
    tpu.enqueue_indirect_dma source(%dma_start3A_105 : memref<1000000x16xf32, #tpu.memory_space<hbm>>) target(%dma_start3A_100 : memref<128x16xf32, #tpu.memory_space<vmem>>) offsets(%dma_start3A_102 : memref<128xi32, #tpu.memory_space<vmem>>) semaphore(%arg16 : memref<!tpu.dma_semaphore, #tpu.memory_space<semaphore_mem>>)
    %dma_start3A_106 = arith.constant 384 : i32
    %dma_start3A_107 = arith.constant 0 : i32
    %dma_start3A_108 = tpu.memref_slice %arg12[%dma_start3A_106, %dma_start3A_107] : memref<512x16xf32, #tpu.memory_space<vmem>> -> memref<128x16xf32, #tpu.memory_space<vmem>>
    %dma_start3A_109 = arith.constant 384 : i32
    %dma_start3A_110 = tpu.memref_slice %arg10[%dma_start3A_109] : memref<512xi32, #tpu.memory_space<vmem>> -> memref<128xi32, #tpu.memory_space<vmem>>
    %dma_start3A_111 = arith.constant 0 : i32
    %dma_start3A_112 = arith.constant 0 : i32
    %dma_start3A_113 = tpu.memref_slice %arg5[%dma_start3A_111, %dma_start3A_112] : memref<1000000x16xf32, #tpu.memory_space<hbm>> -> memref<1000000x16xf32, #tpu.memory_space<hbm>>
    tpu.enqueue_indirect_dma source(%dma_start3A_113 : memref<1000000x16xf32, #tpu.memory_space<hbm>>) target(%dma_start3A_108 : memref<128x16xf32, #tpu.memory_space<vmem>>) offsets(%dma_start3A_110 : memref<128xi32, #tpu.memory_space<vmem>>) semaphore(%arg16 : memref<!tpu.dma_semaphore, #tpu.memory_space<semaphore_mem>>)
    %dma_start3A_114 = arith.constant 384 : i32
    %dma_start3A_115 = arith.constant 0 : i32
    %dma_start3A_116 = tpu.memref_slice %arg13[%dma_start3A_114, %dma_start3A_115] : memref<512x16xf32, #tpu.memory_space<vmem>> -> memref<128x16xf32, #tpu.memory_space<vmem>>
    %dma_start3A_117 = arith.constant 384 : i32
    %dma_start3A_118 = tpu.memref_slice %arg9[%dma_start3A_117] : memref<512xi32, #tpu.memory_space<vmem>> -> memref<128xi32, #tpu.memory_space<vmem>>
    %dma_start3A_119 = arith.constant 0 : i32
    %dma_start3A_120 = arith.constant 0 : i32
    %dma_start3A_121 = tpu.memref_slice %arg6[%dma_start3A_119, %dma_start3A_120] : memref<1000000x16xf32, #tpu.memory_space<hbm>> -> memref<1000000x16xf32, #tpu.memory_space<hbm>>
    tpu.enqueue_indirect_dma source(%dma_start3A_121 : memref<1000000x16xf32, #tpu.memory_space<hbm>>) target(%dma_start3A_116 : memref<128x16xf32, #tpu.memory_space<vmem>>) offsets(%dma_start3A_118 : memref<128xi32, #tpu.memory_space<vmem>>) semaphore(%arg16 : memref<!tpu.dma_semaphore, #tpu.memory_space<semaphore_mem>>)
    %dma_start3A_122 = arith.constant 384 : i32
    %dma_start3A_123 = arith.constant 0 : i32
    %dma_start3A_124 = tpu.memref_slice %arg14[%dma_start3A_122, %dma_start3A_123] : memref<512x16xf32, #tpu.memory_space<vmem>> -> memref<128x16xf32, #tpu.memory_space<vmem>>
    %dma_start3A_125 = arith.constant 384 : i32
    %dma_start3A_126 = tpu.memref_slice %arg10[%dma_start3A_125] : memref<512xi32, #tpu.memory_space<vmem>> -> memref<128xi32, #tpu.memory_space<vmem>>
    %dma_start3A_127 = arith.constant 0 : i32
    %dma_start3A_128 = arith.constant 0 : i32
    %dma_start3A_129 = tpu.memref_slice %arg7[%dma_start3A_127, %dma_start3A_128] : memref<1000000x16xf32, #tpu.memory_space<hbm>> -> memref<1000000x16xf32, #tpu.memory_space<hbm>>
    tpu.enqueue_indirect_dma source(%dma_start3A_129 : memref<1000000x16xf32, #tpu.memory_space<hbm>>) target(%dma_start3A_124 : memref<128x16xf32, #tpu.memory_space<vmem>>) offsets(%dma_start3A_126 : memref<128xi32, #tpu.memory_space<vmem>>) semaphore(%arg16 : memref<!tpu.dma_semaphore, #tpu.memory_space<semaphore_mem>>)
    %dma_wait3A = arith.constant 0 : i32
    %dma_wait3A_130 = arith.constant 0 : i32
    %dma_wait3A_131 = tpu.memref_slice %arg11[%dma_wait3A, %dma_wait3A_130] : memref<512x16xf32, #tpu.memory_space<vmem>> -> memref<128x16xf32, #tpu.memory_space<vmem>>
    %dma_wait3A_132 = arith.constant 0 : i32
    %dma_wait3A_133 = tpu.memref_slice %arg9[%dma_wait3A_132] : memref<512xi32, #tpu.memory_space<vmem>> -> memref<128xi32, #tpu.memory_space<vmem>>
    %dma_wait3A_134 = arith.constant 0 : i32
    %dma_wait3A_135 = arith.constant 0 : i32
    %dma_wait3A_136 = tpu.memref_slice %arg4[%dma_wait3A_134, %dma_wait3A_135] : memref<1000000x16xf32, #tpu.memory_space<hbm>> -> memref<1000000x16xf32, #tpu.memory_space<hbm>>
    tpu.wait_indirect_dma semaphore(%arg16 : memref<!tpu.dma_semaphore, #tpu.memory_space<semaphore_mem>>) src(%dma_wait3A_136 : memref<1000000x16xf32, #tpu.memory_space<hbm>>) dst(%dma_wait3A_131 : memref<128x16xf32, #tpu.memory_space<vmem>>)
    %dma_wait3A_137 = arith.constant 0 : i32
    %dma_wait3A_138 = arith.constant 0 : i32
    %dma_wait3A_139 = tpu.memref_slice %arg12[%dma_wait3A_137, %dma_wait3A_138] : memref<512x16xf32, #tpu.memory_space<vmem>> -> memref<128x16xf32, #tpu.memory_space<vmem>>
    %dma_wait3A_140 = arith.constant 0 : i32
    %dma_wait3A_141 = tpu.memref_slice %arg10[%dma_wait3A_140] : memref<512xi32, #tpu.memory_space<vmem>> -> memref<128xi32, #tpu.memory_space<vmem>>
    %dma_wait3A_142 = arith.constant 0 : i32
    %dma_wait3A_143 = arith.constant 0 : i32
    %dma_wait3A_144 = tpu.memref_slice %arg5[%dma_wait3A_142, %dma_wait3A_143] : memref<1000000x16xf32, #tpu.memory_space<hbm>> -> memref<1000000x16xf32, #tpu.memory_space<hbm>>
    tpu.wait_indirect_dma semaphore(%arg16 : memref<!tpu.dma_semaphore, #tpu.memory_space<semaphore_mem>>) src(%dma_wait3A_144 : memref<1000000x16xf32, #tpu.memory_space<hbm>>) dst(%dma_wait3A_139 : memref<128x16xf32, #tpu.memory_space<vmem>>)
    %dma_wait3A_145 = arith.constant 0 : i32
    %dma_wait3A_146 = arith.constant 0 : i32
    %dma_wait3A_147 = tpu.memref_slice %arg13[%dma_wait3A_145, %dma_wait3A_146] : memref<512x16xf32, #tpu.memory_space<vmem>> -> memref<128x16xf32, #tpu.memory_space<vmem>>
    %dma_wait3A_148 = arith.constant 0 : i32
    %dma_wait3A_149 = tpu.memref_slice %arg9[%dma_wait3A_148] : memref<512xi32, #tpu.memory_space<vmem>> -> memref<128xi32, #tpu.memory_space<vmem>>
    %dma_wait3A_150 = arith.constant 0 : i32
    %dma_wait3A_151 = arith.constant 0 : i32
    %dma_wait3A_152 = tpu.memref_slice %arg6[%dma_wait3A_150, %dma_wait3A_151] : memref<1000000x16xf32, #tpu.memory_space<hbm>> -> memref<1000000x16xf32, #tpu.memory_space<hbm>>
    tpu.wait_indirect_dma semaphore(%arg16 : memref<!tpu.dma_semaphore, #tpu.memory_space<semaphore_mem>>) src(%dma_wait3A_152 : memref<1000000x16xf32, #tpu.memory_space<hbm>>) dst(%dma_wait3A_147 : memref<128x16xf32, #tpu.memory_space<vmem>>)
    %dma_wait3A_153 = arith.constant 0 : i32
    %dma_wait3A_154 = arith.constant 0 : i32
    %dma_wait3A_155 = tpu.memref_slice %arg14[%dma_wait3A_153, %dma_wait3A_154] : memref<512x16xf32, #tpu.memory_space<vmem>> -> memref<128x16xf32, #tpu.memory_space<vmem>>
    %dma_wait3A_156 = arith.constant 0 : i32
    %dma_wait3A_157 = tpu.memref_slice %arg10[%dma_wait3A_156] : memref<512xi32, #tpu.memory_space<vmem>> -> memref<128xi32, #tpu.memory_space<vmem>>
    %dma_wait3A_158 = arith.constant 0 : i32
    %dma_wait3A_159 = arith.constant 0 : i32
    %dma_wait3A_160 = tpu.memref_slice %arg7[%dma_wait3A_158, %dma_wait3A_159] : memref<1000000x16xf32, #tpu.memory_space<hbm>> -> memref<1000000x16xf32, #tpu.memory_space<hbm>>
    tpu.wait_indirect_dma semaphore(%arg16 : memref<!tpu.dma_semaphore, #tpu.memory_space<semaphore_mem>>) src(%dma_wait3A_160 : memref<1000000x16xf32, #tpu.memory_space<hbm>>) dst(%dma_wait3A_155 : memref<128x16xf32, #tpu.memory_space<vmem>>)
    %dma_wait3A_161 = arith.constant 128 : i32
    %dma_wait3A_162 = arith.constant 0 : i32
    %dma_wait3A_163 = tpu.memref_slice %arg11[%dma_wait3A_161, %dma_wait3A_162] : memref<512x16xf32, #tpu.memory_space<vmem>> -> memref<128x16xf32, #tpu.memory_space<vmem>>
    %dma_wait3A_164 = arith.constant 128 : i32
    %dma_wait3A_165 = tpu.memref_slice %arg9[%dma_wait3A_164] : memref<512xi32, #tpu.memory_space<vmem>> -> memref<128xi32, #tpu.memory_space<vmem>>
    %dma_wait3A_166 = arith.constant 0 : i32
    %dma_wait3A_167 = arith.constant 0 : i32
    %dma_wait3A_168 = tpu.memref_slice %arg4[%dma_wait3A_166, %dma_wait3A_167] : memref<1000000x16xf32, #tpu.memory_space<hbm>> -> memref<1000000x16xf32, #tpu.memory_space<hbm>>
    tpu.wait_indirect_dma semaphore(%arg16 : memref<!tpu.dma_semaphore, #tpu.memory_space<semaphore_mem>>) src(%dma_wait3A_168 : memref<1000000x16xf32, #tpu.memory_space<hbm>>) dst(%dma_wait3A_163 : memref<128x16xf32, #tpu.memory_space<vmem>>)
    %dma_wait3A_169 = arith.constant 128 : i32
    %dma_wait3A_170 = arith.constant 0 : i32
    %dma_wait3A_171 = tpu.memref_slice %arg12[%dma_wait3A_169, %dma_wait3A_170] : memref<512x16xf32, #tpu.memory_space<vmem>> -> memref<128x16xf32, #tpu.memory_space<vmem>>
    %dma_wait3A_172 = arith.constant 128 : i32
    %dma_wait3A_173 = tpu.memref_slice %arg10[%dma_wait3A_172] : memref<512xi32, #tpu.memory_space<vmem>> -> memref<128xi32, #tpu.memory_space<vmem>>
    %dma_wait3A_174 = arith.constant 0 : i32
    %dma_wait3A_175 = arith.constant 0 : i32
    %dma_wait3A_176 = tpu.memref_slice %arg5[%dma_wait3A_174, %dma_wait3A_175] : memref<1000000x16xf32, #tpu.memory_space<hbm>> -> memref<1000000x16xf32, #tpu.memory_space<hbm>>
    tpu.wait_indirect_dma semaphore(%arg16 : memref<!tpu.dma_semaphore, #tpu.memory_space<semaphore_mem>>) src(%dma_wait3A_176 : memref<1000000x16xf32, #tpu.memory_space<hbm>>) dst(%dma_wait3A_171 : memref<128x16xf32, #tpu.memory_space<vmem>>)
    %dma_wait3A_177 = arith.constant 128 : i32
    %dma_wait3A_178 = arith.constant 0 : i32
    %dma_wait3A_179 = tpu.memref_slice %arg13[%dma_wait3A_177, %dma_wait3A_178] : memref<512x16xf32, #tpu.memory_space<vmem>> -> memref<128x16xf32, #tpu.memory_space<vmem>>
    %dma_wait3A_180 = arith.constant 128 : i32
    %dma_wait3A_181 = tpu.memref_slice %arg9[%dma_wait3A_180] : memref<512xi32, #tpu.memory_space<vmem>> -> memref<128xi32, #tpu.memory_space<vmem>>
    %dma_wait3A_182 = arith.constant 0 : i32
    %dma_wait3A_183 = arith.constant 0 : i32
    %dma_wait3A_184 = tpu.memref_slice %arg6[%dma_wait3A_182, %dma_wait3A_183] : memref<1000000x16xf32, #tpu.memory_space<hbm>> -> memref<1000000x16xf32, #tpu.memory_space<hbm>>
    tpu.wait_indirect_dma semaphore(%arg16 : memref<!tpu.dma_semaphore, #tpu.memory_space<semaphore_mem>>) src(%dma_wait3A_184 : memref<1000000x16xf32, #tpu.memory_space<hbm>>) dst(%dma_wait3A_179 : memref<128x16xf32, #tpu.memory_space<vmem>>)
    %dma_wait3A_185 = arith.constant 128 : i32
    %dma_wait3A_186 = arith.constant 0 : i32
    %dma_wait3A_187 = tpu.memref_slice %arg14[%dma_wait3A_185, %dma_wait3A_186] : memref<512x16xf32, #tpu.memory_space<vmem>> -> memref<128x16xf32, #tpu.memory_space<vmem>>
    %dma_wait3A_188 = arith.constant 128 : i32
    %dma_wait3A_189 = tpu.memref_slice %arg10[%dma_wait3A_188] : memref<512xi32, #tpu.memory_space<vmem>> -> memref<128xi32, #tpu.memory_space<vmem>>
    %dma_wait3A_190 = arith.constant 0 : i32
    %dma_wait3A_191 = arith.constant 0 : i32
    %dma_wait3A_192 = tpu.memref_slice %arg7[%dma_wait3A_190, %dma_wait3A_191] : memref<1000000x16xf32, #tpu.memory_space<hbm>> -> memref<1000000x16xf32, #tpu.memory_space<hbm>>
    tpu.wait_indirect_dma semaphore(%arg16 : memref<!tpu.dma_semaphore, #tpu.memory_space<semaphore_mem>>) src(%dma_wait3A_192 : memref<1000000x16xf32, #tpu.memory_space<hbm>>) dst(%dma_wait3A_187 : memref<128x16xf32, #tpu.memory_space<vmem>>)
    %dma_wait3A_193 = arith.constant 256 : i32
    %dma_wait3A_194 = arith.constant 0 : i32
    %dma_wait3A_195 = tpu.memref_slice %arg11[%dma_wait3A_193, %dma_wait3A_194] : memref<512x16xf32, #tpu.memory_space<vmem>> -> memref<128x16xf32, #tpu.memory_space<vmem>>
    %dma_wait3A_196 = arith.constant 256 : i32
    %dma_wait3A_197 = tpu.memref_slice %arg9[%dma_wait3A_196] : memref<512xi32, #tpu.memory_space<vmem>> -> memref<128xi32, #tpu.memory_space<vmem>>
    %dma_wait3A_198 = arith.constant 0 : i32
    %dma_wait3A_199 = arith.constant 0 : i32
    %dma_wait3A_200 = tpu.memref_slice %arg4[%dma_wait3A_198, %dma_wait3A_199] : memref<1000000x16xf32, #tpu.memory_space<hbm>> -> memref<1000000x16xf32, #tpu.memory_space<hbm>>
    tpu.wait_indirect_dma semaphore(%arg16 : memref<!tpu.dma_semaphore, #tpu.memory_space<semaphore_mem>>) src(%dma_wait3A_200 : memref<1000000x16xf32, #tpu.memory_space<hbm>>) dst(%dma_wait3A_195 : memref<128x16xf32, #tpu.memory_space<vmem>>)
    %dma_wait3A_201 = arith.constant 256 : i32
    %dma_wait3A_202 = arith.constant 0 : i32
    %dma_wait3A_203 = tpu.memref_slice %arg12[%dma_wait3A_201, %dma_wait3A_202] : memref<512x16xf32, #tpu.memory_space<vmem>> -> memref<128x16xf32, #tpu.memory_space<vmem>>
    %dma_wait3A_204 = arith.constant 256 : i32
    %dma_wait3A_205 = tpu.memref_slice %arg10[%dma_wait3A_204] : memref<512xi32, #tpu.memory_space<vmem>> -> memref<128xi32, #tpu.memory_space<vmem>>
    %dma_wait3A_206 = arith.constant 0 : i32
    %dma_wait3A_207 = arith.constant 0 : i32
    %dma_wait3A_208 = tpu.memref_slice %arg5[%dma_wait3A_206, %dma_wait3A_207] : memref<1000000x16xf32, #tpu.memory_space<hbm>> -> memref<1000000x16xf32, #tpu.memory_space<hbm>>
    tpu.wait_indirect_dma semaphore(%arg16 : memref<!tpu.dma_semaphore, #tpu.memory_space<semaphore_mem>>) src(%dma_wait3A_208 : memref<1000000x16xf32, #tpu.memory_space<hbm>>) dst(%dma_wait3A_203 : memref<128x16xf32, #tpu.memory_space<vmem>>)
    %dma_wait3A_209 = arith.constant 256 : i32
    %dma_wait3A_210 = arith.constant 0 : i32
    %dma_wait3A_211 = tpu.memref_slice %arg13[%dma_wait3A_209, %dma_wait3A_210] : memref<512x16xf32, #tpu.memory_space<vmem>> -> memref<128x16xf32, #tpu.memory_space<vmem>>
    %dma_wait3A_212 = arith.constant 256 : i32
    %dma_wait3A_213 = tpu.memref_slice %arg9[%dma_wait3A_212] : memref<512xi32, #tpu.memory_space<vmem>> -> memref<128xi32, #tpu.memory_space<vmem>>
    %dma_wait3A_214 = arith.constant 0 : i32
    %dma_wait3A_215 = arith.constant 0 : i32
    %dma_wait3A_216 = tpu.memref_slice %arg6[%dma_wait3A_214, %dma_wait3A_215] : memref<1000000x16xf32, #tpu.memory_space<hbm>> -> memref<1000000x16xf32, #tpu.memory_space<hbm>>
    tpu.wait_indirect_dma semaphore(%arg16 : memref<!tpu.dma_semaphore, #tpu.memory_space<semaphore_mem>>) src(%dma_wait3A_216 : memref<1000000x16xf32, #tpu.memory_space<hbm>>) dst(%dma_wait3A_211 : memref<128x16xf32, #tpu.memory_space<vmem>>)
    %dma_wait3A_217 = arith.constant 256 : i32
    %dma_wait3A_218 = arith.constant 0 : i32
    %dma_wait3A_219 = tpu.memref_slice %arg14[%dma_wait3A_217, %dma_wait3A_218] : memref<512x16xf32, #tpu.memory_space<vmem>> -> memref<128x16xf32, #tpu.memory_space<vmem>>
    %dma_wait3A_220 = arith.constant 256 : i32
    %dma_wait3A_221 = tpu.memref_slice %arg10[%dma_wait3A_220] : memref<512xi32, #tpu.memory_space<vmem>> -> memref<128xi32, #tpu.memory_space<vmem>>
    %dma_wait3A_222 = arith.constant 0 : i32
    %dma_wait3A_223 = arith.constant 0 : i32
    %dma_wait3A_224 = tpu.memref_slice %arg7[%dma_wait3A_222, %dma_wait3A_223] : memref<1000000x16xf32, #tpu.memory_space<hbm>> -> memref<1000000x16xf32, #tpu.memory_space<hbm>>
    tpu.wait_indirect_dma semaphore(%arg16 : memref<!tpu.dma_semaphore, #tpu.memory_space<semaphore_mem>>) src(%dma_wait3A_224 : memref<1000000x16xf32, #tpu.memory_space<hbm>>) dst(%dma_wait3A_219 : memref<128x16xf32, #tpu.memory_space<vmem>>)
    %dma_wait3A_225 = arith.constant 384 : i32
    %dma_wait3A_226 = arith.constant 0 : i32
    %dma_wait3A_227 = tpu.memref_slice %arg11[%dma_wait3A_225, %dma_wait3A_226] : memref<512x16xf32, #tpu.memory_space<vmem>> -> memref<128x16xf32, #tpu.memory_space<vmem>>
    %dma_wait3A_228 = arith.constant 384 : i32
    %dma_wait3A_229 = tpu.memref_slice %arg9[%dma_wait3A_228] : memref<512xi32, #tpu.memory_space<vmem>> -> memref<128xi32, #tpu.memory_space<vmem>>
    %dma_wait3A_230 = arith.constant 0 : i32
    %dma_wait3A_231 = arith.constant 0 : i32
    %dma_wait3A_232 = tpu.memref_slice %arg4[%dma_wait3A_230, %dma_wait3A_231] : memref<1000000x16xf32, #tpu.memory_space<hbm>> -> memref<1000000x16xf32, #tpu.memory_space<hbm>>
    tpu.wait_indirect_dma semaphore(%arg16 : memref<!tpu.dma_semaphore, #tpu.memory_space<semaphore_mem>>) src(%dma_wait3A_232 : memref<1000000x16xf32, #tpu.memory_space<hbm>>) dst(%dma_wait3A_227 : memref<128x16xf32, #tpu.memory_space<vmem>>)
    %dma_wait3A_233 = arith.constant 384 : i32
    %dma_wait3A_234 = arith.constant 0 : i32
    %dma_wait3A_235 = tpu.memref_slice %arg12[%dma_wait3A_233, %dma_wait3A_234] : memref<512x16xf32, #tpu.memory_space<vmem>> -> memref<128x16xf32, #tpu.memory_space<vmem>>
    %dma_wait3A_236 = arith.constant 384 : i32
    %dma_wait3A_237 = tpu.memref_slice %arg10[%dma_wait3A_236] : memref<512xi32, #tpu.memory_space<vmem>> -> memref<128xi32, #tpu.memory_space<vmem>>
    %dma_wait3A_238 = arith.constant 0 : i32
    %dma_wait3A_239 = arith.constant 0 : i32
    %dma_wait3A_240 = tpu.memref_slice %arg5[%dma_wait3A_238, %dma_wait3A_239] : memref<1000000x16xf32, #tpu.memory_space<hbm>> -> memref<1000000x16xf32, #tpu.memory_space<hbm>>
    tpu.wait_indirect_dma semaphore(%arg16 : memref<!tpu.dma_semaphore, #tpu.memory_space<semaphore_mem>>) src(%dma_wait3A_240 : memref<1000000x16xf32, #tpu.memory_space<hbm>>) dst(%dma_wait3A_235 : memref<128x16xf32, #tpu.memory_space<vmem>>)
    %dma_wait3A_241 = arith.constant 384 : i32
    %dma_wait3A_242 = arith.constant 0 : i32
    %dma_wait3A_243 = tpu.memref_slice %arg13[%dma_wait3A_241, %dma_wait3A_242] : memref<512x16xf32, #tpu.memory_space<vmem>> -> memref<128x16xf32, #tpu.memory_space<vmem>>
    %dma_wait3A_244 = arith.constant 384 : i32
    %dma_wait3A_245 = tpu.memref_slice %arg9[%dma_wait3A_244] : memref<512xi32, #tpu.memory_space<vmem>> -> memref<128xi32, #tpu.memory_space<vmem>>
    %dma_wait3A_246 = arith.constant 0 : i32
    %dma_wait3A_247 = arith.constant 0 : i32
    %dma_wait3A_248 = tpu.memref_slice %arg6[%dma_wait3A_246, %dma_wait3A_247] : memref<1000000x16xf32, #tpu.memory_space<hbm>> -> memref<1000000x16xf32, #tpu.memory_space<hbm>>
    tpu.wait_indirect_dma semaphore(%arg16 : memref<!tpu.dma_semaphore, #tpu.memory_space<semaphore_mem>>) src(%dma_wait3A_248 : memref<1000000x16xf32, #tpu.memory_space<hbm>>) dst(%dma_wait3A_243 : memref<128x16xf32, #tpu.memory_space<vmem>>)
    %dma_wait3A_249 = arith.constant 384 : i32
    %dma_wait3A_250 = arith.constant 0 : i32
    %dma_wait3A_251 = tpu.memref_slice %arg14[%dma_wait3A_249, %dma_wait3A_250] : memref<512x16xf32, #tpu.memory_space<vmem>> -> memref<128x16xf32, #tpu.memory_space<vmem>>
    %dma_wait3A_252 = arith.constant 384 : i32
    %dma_wait3A_253 = tpu.memref_slice %arg10[%dma_wait3A_252] : memref<512xi32, #tpu.memory_space<vmem>> -> memref<128xi32, #tpu.memory_space<vmem>>
    %dma_wait3A_254 = arith.constant 0 : i32
    %dma_wait3A_255 = arith.constant 0 : i32
    %dma_wait3A_256 = tpu.memref_slice %arg7[%dma_wait3A_254, %dma_wait3A_255] : memref<1000000x16xf32, #tpu.memory_space<hbm>> -> memref<1000000x16xf32, #tpu.memory_space<hbm>>
    tpu.wait_indirect_dma semaphore(%arg16 : memref<!tpu.dma_semaphore, #tpu.memory_space<semaphore_mem>>) src(%dma_wait3A_256 : memref<1000000x16xf32, #tpu.memory_space<hbm>>) dst(%dma_wait3A_251 : memref<128x16xf32, #tpu.memory_space<vmem>>)
    %scan3A = arith.constant 0 : i32
    %scan3A_257 = arith.constant 0 : i32
    %scan3A_258 = arith.constant 32 : i32
    %scan3A_259 = arith.addi %scan3A_257, %scan3A_258 : i32
    %scan3A_260 = arith.constant 1 : i32
    scf.for %scan3A_262 = %scan3A_257 to %scan3A_259 step %scan3A_260  : i32 {
      %mul3A_263 = arith.constant 16 : i32
      %mul3A_264 = arith.muli %scan3A_262, %mul3A_263 : i32
      %iota3A = tpu.iota {dimensions = array<i32: 0>} : vector<16xi32>
      %add3A_265 = vector.broadcast %mul3A_264 : i32 to vector<16xi32>
      %add3A_266 = arith.addi %add3A_265, %iota3A : vector<16xi32>
      %broadcast_in_dim3A = arith.constant 0.000000e+00 : f32
      %broadcast_in_dim3A_267 = vector.broadcast %broadcast_in_dim3A : f32 to vector<16xf32>
      %broadcast_in_dim3A_268 = arith.constant 0 : i32
      %broadcast_in_dim3A_269 = vector.broadcast %broadcast_in_dim3A_268 : i32 to vector<16xi32>
      %gather3A = tpu.vector_load_idx %arg11[%add3A_266, %broadcast_in_dim3A_269] : memref<512x16xf32, #tpu.memory_space<vmem>>[vector<16xi32>, vector<16xi32>], vector<16xf32>,
      %gather3A_270 = tpu.vector_load_idx %arg12[%add3A_266, %broadcast_in_dim3A_269] : memref<512x16xf32, #tpu.memory_space<vmem>>[vector<16xi32>, vector<16xi32>], vector<16xf32>,
      %mul3A_271 = arith.mulf %gather3A, %gather3A_270 : vector<16xf32>
      %add3A_272 = arith.addf %broadcast_in_dim3A_267, %mul3A_271 : vector<16xf32>
      %gather3A_273 = tpu.vector_load_idx %arg13[%add3A_266, %broadcast_in_dim3A_269] : memref<512x16xf32, #tpu.memory_space<vmem>>[vector<16xi32>, vector<16xi32>], vector<16xf32>,
      %gather3A_274 = tpu.vector_load_idx %arg14[%add3A_266, %broadcast_in_dim3A_269] : memref<512x16xf32, #tpu.memory_space<vmem>>[vector<16xi32>, vector<16xi32>], vector<16xf32>,
      %mul3A_275 = arith.mulf %gather3A_273, %gather3A_274 : vector<16xf32>
      %add3A_276 = arith.addf %add3A_272, %mul3A_275 : vector<16xf32>
      %broadcast_in_dim3A_277 = arith.constant 1 : i32
      %broadcast_in_dim3A_278 = vector.broadcast %broadcast_in_dim3A_277 : i32 to vector<16xi32>
      %gather3A_279 = tpu.vector_load_idx %arg11[%add3A_266, %broadcast_in_dim3A_278] : memref<512x16xf32, #tpu.memory_space<vmem>>[vector<16xi32>, vector<16xi32>], vector<16xf32>,
      %gather3A_280 = tpu.vector_load_idx %arg12[%add3A_266, %broadcast_in_dim3A_278] : memref<512x16xf32, #tpu.memory_space<vmem>>[vector<16xi32>, vector<16xi32>], vector<16xf32>,
      %mul3A_281 = arith.mulf %gather3A_279, %gather3A_280 : vector<16xf32>
      %add3A_282 = arith.addf %add3A_276, %mul3A_281 : vector<16xf32>
      %gather3A_283 = tpu.vector_load_idx %arg13[%add3A_266, %broadcast_in_dim3A_278] : memref<512x16xf32, #tpu.memory_space<vmem>>[vector<16xi32>, vector<16xi32>], vector<16xf32>,
      %gather3A_284 = tpu.vector_load_idx %arg14[%add3A_266, %broadcast_in_dim3A_278] : memref<512x16xf32, #tpu.memory_space<vmem>>[vector<16xi32>, vector<16xi32>], vector<16xf32>,
      %mul3A_285 = arith.mulf %gather3A_283, %gather3A_284 : vector<16xf32>
      %add3A_286 = arith.addf %add3A_282, %mul3A_285 : vector<16xf32>
      %broadcast_in_dim3A_287 = arith.constant 2 : i32
      %broadcast_in_dim3A_288 = vector.broadcast %broadcast_in_dim3A_287 : i32 to vector<16xi32>
      %gather3A_289 = tpu.vector_load_idx %arg11[%add3A_266, %broadcast_in_dim3A_288] : memref<512x16xf32, #tpu.memory_space<vmem>>[vector<16xi32>, vector<16xi32>], vector<16xf32>,
      %gather3A_290 = tpu.vector_load_idx %arg12[%add3A_266, %broadcast_in_dim3A_288] : memref<512x16xf32, #tpu.memory_space<vmem>>[vector<16xi32>, vector<16xi32>], vector<16xf32>,
      %mul3A_291 = arith.mulf %gather3A_289, %gather3A_290 : vector<16xf32>
      %add3A_292 = arith.addf %add3A_286, %mul3A_291 : vector<16xf32>
      %gather3A_293 = tpu.vector_load_idx %arg13[%add3A_266, %broadcast_in_dim3A_288] : memref<512x16xf32, #tpu.memory_space<vmem>>[vector<16xi32>, vector<16xi32>], vector<16xf32>,
      %gather3A_294 = tpu.vector_load_idx %arg14[%add3A_266, %broadcast_in_dim3A_288] : memref<512x16xf32, #tpu.memory_space<vmem>>[vector<16xi32>, vector<16xi32>], vector<16xf32>,
      %mul3A_295 = arith.mulf %gather3A_293, %gather3A_294 : vector<16xf32>
      %add3A_296 = arith.addf %add3A_292, %mul3A_295 : vector<16xf32>
      %broadcast_in_dim3A_297 = arith.constant 3 : i32
      %broadcast_in_dim3A_298 = vector.broadcast %broadcast_in_dim3A_297 : i32 to vector<16xi32>
      %gather3A_299 = tpu.vector_load_idx %arg11[%add3A_266, %broadcast_in_dim3A_298] : memref<512x16xf32, #tpu.memory_space<vmem>>[vector<16xi32>, vector<16xi32>], vector<16xf32>,
      %gather3A_300 = tpu.vector_load_idx %arg12[%add3A_266, %broadcast_in_dim3A_298] : memref<512x16xf32, #tpu.memory_space<vmem>>[vector<16xi32>, vector<16xi32>], vector<16xf32>,
      %mul3A_301 = arith.mulf %gather3A_299, %gather3A_300 : vector<16xf32>
      %add3A_302 = arith.addf %add3A_296, %mul3A_301 : vector<16xf32>
      %gather3A_303 = tpu.vector_load_idx %arg13[%add3A_266, %broadcast_in_dim3A_298] : memref<512x16xf32, #tpu.memory_space<vmem>>[vector<16xi32>, vector<16xi32>], vector<16xf32>,
      %gather3A_304 = tpu.vector_load_idx %arg14[%add3A_266, %broadcast_in_dim3A_298] : memref<512x16xf32, #tpu.memory_space<vmem>>[vector<16xi32>, vector<16xi32>], vector<16xf32>,
      %mul3A_305 = arith.mulf %gather3A_303, %gather3A_304 : vector<16xf32>
      %add3A_306 = arith.addf %add3A_302, %mul3A_305 : vector<16xf32>
      %broadcast_in_dim3A_307 = arith.constant 4 : i32
      %broadcast_in_dim3A_308 = vector.broadcast %broadcast_in_dim3A_307 : i32 to vector<16xi32>
      %gather3A_309 = tpu.vector_load_idx %arg11[%add3A_266, %broadcast_in_dim3A_308] : memref<512x16xf32, #tpu.memory_space<vmem>>[vector<16xi32>, vector<16xi32>], vector<16xf32>,
      %gather3A_310 = tpu.vector_load_idx %arg12[%add3A_266, %broadcast_in_dim3A_308] : memref<512x16xf32, #tpu.memory_space<vmem>>[vector<16xi32>, vector<16xi32>], vector<16xf32>,
      %mul3A_311 = arith.mulf %gather3A_309, %gather3A_310 : vector<16xf32>
      %add3A_312 = arith.addf %add3A_306, %mul3A_311 : vector<16xf32>
      %gather3A_313 = tpu.vector_load_idx %arg13[%add3A_266, %broadcast_in_dim3A_308] : memref<512x16xf32, #tpu.memory_space<vmem>>[vector<16xi32>, vector<16xi32>], vector<16xf32>,
      %gather3A_314 = tpu.vector_load_idx %arg14[%add3A_266, %broadcast_in_dim3A_308] : memref<512x16xf32, #tpu.memory_space<vmem>>[vector<16xi32>, vector<16xi32>], vector<16xf32>,
      %mul3A_315 = arith.mulf %gather3A_313, %gather3A_314 : vector<16xf32>
      %add3A_316 = arith.addf %add3A_312, %mul3A_315 : vector<16xf32>
      %broadcast_in_dim3A_317 = arith.constant 5 : i32
      %broadcast_in_dim3A_318 = vector.broadcast %broadcast_in_dim3A_317 : i32 to vector<16xi32>
      %gather3A_319 = tpu.vector_load_idx %arg11[%add3A_266, %broadcast_in_dim3A_318] : memref<512x16xf32, #tpu.memory_space<vmem>>[vector<16xi32>, vector<16xi32>], vector<16xf32>,
      %gather3A_320 = tpu.vector_load_idx %arg12[%add3A_266, %broadcast_in_dim3A_318] : memref<512x16xf32, #tpu.memory_space<vmem>>[vector<16xi32>, vector<16xi32>], vector<16xf32>,
      %mul3A_321 = arith.mulf %gather3A_319, %gather3A_320 : vector<16xf32>
      %add3A_322 = arith.addf %add3A_316, %mul3A_321 : vector<16xf32>
      %gather3A_323 = tpu.vector_load_idx %arg13[%add3A_266, %broadcast_in_dim3A_318] : memref<512x16xf32, #tpu.memory_space<vmem>>[vector<16xi32>, vector<16xi32>], vector<16xf32>,
      %gather3A_324 = tpu.vector_load_idx %arg14[%add3A_266, %broadcast_in_dim3A_318] : memref<512x16xf32, #tpu.memory_space<vmem>>[vector<16xi32>, vector<16xi32>], vector<16xf32>,
      %mul3A_325 = arith.mulf %gather3A_323, %gather3A_324 : vector<16xf32>
      %add3A_326 = arith.addf %add3A_322, %mul3A_325 : vector<16xf32>
      %broadcast_in_dim3A_327 = arith.constant 6 : i32
      %broadcast_in_dim3A_328 = vector.broadcast %broadcast_in_dim3A_327 : i32 to vector<16xi32>
      %gather3A_329 = tpu.vector_load_idx %arg11[%add3A_266, %broadcast_in_dim3A_328] : memref<512x16xf32, #tpu.memory_space<vmem>>[vector<16xi32>, vector<16xi32>], vector<16xf32>,
      %gather3A_330 = tpu.vector_load_idx %arg12[%add3A_266, %broadcast_in_dim3A_328] : memref<512x16xf32, #tpu.memory_space<vmem>>[vector<16xi32>, vector<16xi32>], vector<16xf32>,
      %mul3A_331 = arith.mulf %gather3A_329, %gather3A_330 : vector<16xf32>
      %add3A_332 = arith.addf %add3A_326, %mul3A_331 : vector<16xf32>
      %gather3A_333 = tpu.vector_load_idx %arg13[%add3A_266, %broadcast_in_dim3A_328] : memref<512x16xf32, #tpu.memory_space<vmem>>[vector<16xi32>, vector<16xi32>], vector<16xf32>,
      %gather3A_334 = tpu.vector_load_idx %arg14[%add3A_266, %broadcast_in_dim3A_328] : memref<512x16xf32, #tpu.memory_space<vmem>>[vector<16xi32>, vector<16xi32>], vector<16xf32>,
      %mul3A_335 = arith.mulf %gather3A_333, %gather3A_334 : vector<16xf32>
      %add3A_336 = arith.addf %add3A_332, %mul3A_335 : vector<16xf32>
      %broadcast_in_dim3A_337 = arith.constant 7 : i32
      %broadcast_in_dim3A_338 = vector.broadcast %broadcast_in_dim3A_337 : i32 to vector<16xi32>
      %gather3A_339 = tpu.vector_load_idx %arg11[%add3A_266, %broadcast_in_dim3A_338] : memref<512x16xf32, #tpu.memory_space<vmem>>[vector<16xi32>, vector<16xi32>], vector<16xf32>,
      %gather3A_340 = tpu.vector_load_idx %arg12[%add3A_266, %broadcast_in_dim3A_338] : memref<512x16xf32, #tpu.memory_space<vmem>>[vector<16xi32>, vector<16xi32>], vector<16xf32>,
      %mul3A_341 = arith.mulf %gather3A_339, %gather3A_340 : vector<16xf32>
      %add3A_342 = arith.addf %add3A_336, %mul3A_341 : vector<16xf32>
      %gather3A_343 = tpu.vector_load_idx %arg13[%add3A_266, %broadcast_in_dim3A_338] : memref<512x16xf32, #tpu.memory_space<vmem>>[vector<16xi32>, vector<16xi32>], vector<16xf32>,
      %gather3A_344 = tpu.vector_load_idx %arg14[%add3A_266, %broadcast_in_dim3A_338] : memref<512x16xf32, #tpu.memory_space<vmem>>[vector<16xi32>, vector<16xi32>], vector<16xf32>,
      %mul3A_345 = arith.mulf %gather3A_343, %gather3A_344 : vector<16xf32>
      %add3A_346 = arith.addf %add3A_342, %mul3A_345 : vector<16xf32>
      %broadcast_in_dim3A_347 = arith.constant 8 : i32
      %broadcast_in_dim3A_348 = vector.broadcast %broadcast_in_dim3A_347 : i32 to vector<16xi32>
      %gather3A_349 = tpu.vector_load_idx %arg11[%add3A_266, %broadcast_in_dim3A_348] : memref<512x16xf32, #tpu.memory_space<vmem>>[vector<16xi32>, vector<16xi32>], vector<16xf32>,
      %gather3A_350 = tpu.vector_load_idx %arg12[%add3A_266, %broadcast_in_dim3A_348] : memref<512x16xf32, #tpu.memory_space<vmem>>[vector<16xi32>, vector<16xi32>], vector<16xf32>,
      %mul3A_351 = arith.mulf %gather3A_349, %gather3A_350 : vector<16xf32>
      %add3A_352 = arith.addf %add3A_346, %mul3A_351 : vector<16xf32>
      %gather3A_353 = tpu.vector_load_idx %arg13[%add3A_266, %broadcast_in_dim3A_348] : memref<512x16xf32, #tpu.memory_space<vmem>>[vector<16xi32>, vector<16xi32>], vector<16xf32>,
      %gather3A_354 = tpu.vector_load_idx %arg14[%add3A_266, %broadcast_in_dim3A_348] : memref<512x16xf32, #tpu.memory_space<vmem>>[vector<16xi32>, vector<16xi32>], vector<16xf32>,
      %mul3A_355 = arith.mulf %gather3A_353, %gather3A_354 : vector<16xf32>
      %add3A_356 = arith.addf %add3A_352, %mul3A_355 : vector<16xf32>
      %broadcast_in_dim3A_357 = arith.constant 9 : i32
      %broadcast_in_dim3A_358 = vector.broadcast %broadcast_in_dim3A_357 : i32 to vector<16xi32>
      %gather3A_359 = tpu.vector_load_idx %arg11[%add3A_266, %broadcast_in_dim3A_358] : memref<512x16xf32, #tpu.memory_space<vmem>>[vector<16xi32>, vector<16xi32>], vector<16xf32>,
      %gather3A_360 = tpu.vector_load_idx %arg12[%add3A_266, %broadcast_in_dim3A_358] : memref<512x16xf32, #tpu.memory_space<vmem>>[vector<16xi32>, vector<16xi32>], vector<16xf32>,
      %mul3A_361 = arith.mulf %gather3A_359, %gather3A_360 : vector<16xf32>
      %add3A_362 = arith.addf %add3A_356, %mul3A_361 : vector<16xf32>
      %gather3A_363 = tpu.vector_load_idx %arg13[%add3A_266, %broadcast_in_dim3A_358] : memref<512x16xf32, #tpu.memory_space<vmem>>[vector<16xi32>, vector<16xi32>], vector<16xf32>,
      %gather3A_364 = tpu.vector_load_idx %arg14[%add3A_266, %broadcast_in_dim3A_358] : memref<512x16xf32, #tpu.memory_space<vmem>>[vector<16xi32>, vector<16xi32>], vector<16xf32>,
      %mul3A_365 = arith.mulf %gather3A_363, %gather3A_364 : vector<16xf32>
      %add3A_366 = arith.addf %add3A_362, %mul3A_365 : vector<16xf32>
      %broadcast_in_dim3A_367 = arith.constant 10 : i32
      %broadcast_in_dim3A_368 = vector.broadcast %broadcast_in_dim3A_367 : i32 to vector<16xi32>
      %gather3A_369 = tpu.vector_load_idx %arg11[%add3A_266, %broadcast_in_dim3A_368] : memref<512x16xf32, #tpu.memory_space<vmem>>[vector<16xi32>, vector<16xi32>], vector<16xf32>,
      %gather3A_370 = tpu.vector_load_idx %arg12[%add3A_266, %broadcast_in_dim3A_368] : memref<512x16xf32, #tpu.memory_space<vmem>>[vector<16xi32>, vector<16xi32>], vector<16xf32>,
      %mul3A_371 = arith.mulf %gather3A_369, %gather3A_370 : vector<16xf32>
      %add3A_372 = arith.addf %add3A_366, %mul3A_371 : vector<16xf32>
      %gather3A_373 = tpu.vector_load_idx %arg13[%add3A_266, %broadcast_in_dim3A_368] : memref<512x16xf32, #tpu.memory_space<vmem>>[vector<16xi32>, vector<16xi32>], vector<16xf32>,
      %gather3A_374 = tpu.vector_load_idx %arg14[%add3A_266, %broadcast_in_dim3A_368] : memref<512x16xf32, #tpu.memory_space<vmem>>[vector<16xi32>, vector<16xi32>], vector<16xf32>,
      %mul3A_375 = arith.mulf %gather3A_373, %gather3A_374 : vector<16xf32>
      %add3A_376 = arith.addf %add3A_372, %mul3A_375 : vector<16xf32>
      %broadcast_in_dim3A_377 = arith.constant 11 : i32
      %broadcast_in_dim3A_378 = vector.broadcast %broadcast_in_dim3A_377 : i32 to vector<16xi32>
      %gather3A_379 = tpu.vector_load_idx %arg11[%add3A_266, %broadcast_in_dim3A_378] : memref<512x16xf32, #tpu.memory_space<vmem>>[vector<16xi32>, vector<16xi32>], vector<16xf32>,
      %gather3A_380 = tpu.vector_load_idx %arg12[%add3A_266, %broadcast_in_dim3A_378] : memref<512x16xf32, #tpu.memory_space<vmem>>[vector<16xi32>, vector<16xi32>], vector<16xf32>,
      %mul3A_381 = arith.mulf %gather3A_379, %gather3A_380 : vector<16xf32>
      %add3A_382 = arith.addf %add3A_376, %mul3A_381 : vector<16xf32>
      %gather3A_383 = tpu.vector_load_idx %arg13[%add3A_266, %broadcast_in_dim3A_378] : memref<512x16xf32, #tpu.memory_space<vmem>>[vector<16xi32>, vector<16xi32>], vector<16xf32>,
      %gather3A_384 = tpu.vector_load_idx %arg14[%add3A_266, %broadcast_in_dim3A_378] : memref<512x16xf32, #tpu.memory_space<vmem>>[vector<16xi32>, vector<16xi32>], vector<16xf32>,
      %mul3A_385 = arith.mulf %gather3A_383, %gather3A_384 : vector<16xf32>
      %add3A_386 = arith.addf %add3A_382, %mul3A_385 : vector<16xf32>
      %broadcast_in_dim3A_387 = arith.constant 12 : i32
      %broadcast_in_dim3A_388 = vector.broadcast %broadcast_in_dim3A_387 : i32 to vector<16xi32>
      %gather3A_389 = tpu.vector_load_idx %arg11[%add3A_266, %broadcast_in_dim3A_388] : memref<512x16xf32, #tpu.memory_space<vmem>>[vector<16xi32>, vector<16xi32>], vector<16xf32>,
      %gather3A_390 = tpu.vector_load_idx %arg12[%add3A_266, %broadcast_in_dim3A_388] : memref<512x16xf32, #tpu.memory_space<vmem>>[vector<16xi32>, vector<16xi32>], vector<16xf32>,
      %mul3A_391 = arith.mulf %gather3A_389, %gather3A_390 : vector<16xf32>
      %add3A_392 = arith.addf %add3A_386, %mul3A_391 : vector<16xf32>
      %gather3A_393 = tpu.vector_load_idx %arg13[%add3A_266, %broadcast_in_dim3A_388] : memref<512x16xf32, #tpu.memory_space<vmem>>[vector<16xi32>, vector<16xi32>], vector<16xf32>,
      %gather3A_394 = tpu.vector_load_idx %arg14[%add3A_266, %broadcast_in_dim3A_388] : memref<512x16xf32, #tpu.memory_space<vmem>>[vector<16xi32>, vector<16xi32>], vector<16xf32>,
      %mul3A_395 = arith.mulf %gather3A_393, %gather3A_394 : vector<16xf32>
      %add3A_396 = arith.addf %add3A_392, %mul3A_395 : vector<16xf32>
      %broadcast_in_dim3A_397 = arith.constant 13 : i32
      %broadcast_in_dim3A_398 = vector.broadcast %broadcast_in_dim3A_397 : i32 to vector<16xi32>
      %gather3A_399 = tpu.vector_load_idx %arg11[%add3A_266, %broadcast_in_dim3A_398] : memref<512x16xf32, #tpu.memory_space<vmem>>[vector<16xi32>, vector<16xi32>], vector<16xf32>,
      %gather3A_400 = tpu.vector_load_idx %arg12[%add3A_266, %broadcast_in_dim3A_398] : memref<512x16xf32, #tpu.memory_space<vmem>>[vector<16xi32>, vector<16xi32>], vector<16xf32>,
      %mul3A_401 = arith.mulf %gather3A_399, %gather3A_400 : vector<16xf32>
      %add3A_402 = arith.addf %add3A_396, %mul3A_401 : vector<16xf32>
      %gather3A_403 = tpu.vector_load_idx %arg13[%add3A_266, %broadcast_in_dim3A_398] : memref<512x16xf32, #tpu.memory_space<vmem>>[vector<16xi32>, vector<16xi32>], vector<16xf32>,
      %gather3A_404 = tpu.vector_load_idx %arg14[%add3A_266, %broadcast_in_dim3A_398] : memref<512x16xf32, #tpu.memory_space<vmem>>[vector<16xi32>, vector<16xi32>], vector<16xf32>,
      %mul3A_405 = arith.mulf %gather3A_403, %gather3A_404 : vector<16xf32>
      %add3A_406 = arith.addf %add3A_402, %mul3A_405 : vector<16xf32>
      %broadcast_in_dim3A_407 = arith.constant 14 : i32
      %broadcast_in_dim3A_408 = vector.broadcast %broadcast_in_dim3A_407 : i32 to vector<16xi32>
      %gather3A_409 = tpu.vector_load_idx %arg11[%add3A_266, %broadcast_in_dim3A_408] : memref<512x16xf32, #tpu.memory_space<vmem>>[vector<16xi32>, vector<16xi32>], vector<16xf32>,
      %gather3A_410 = tpu.vector_load_idx %arg12[%add3A_266, %broadcast_in_dim3A_408] : memref<512x16xf32, #tpu.memory_space<vmem>>[vector<16xi32>, vector<16xi32>], vector<16xf32>,
      %mul3A_411 = arith.mulf %gather3A_409, %gather3A_410 : vector<16xf32>
      %add3A_412 = arith.addf %add3A_406, %mul3A_411 : vector<16xf32>
      %gather3A_413 = tpu.vector_load_idx %arg13[%add3A_266, %broadcast_in_dim3A_408] : memref<512x16xf32, #tpu.memory_space<vmem>>[vector<16xi32>, vector<16xi32>], vector<16xf32>,
      %gather3A_414 = tpu.vector_load_idx %arg14[%add3A_266, %broadcast_in_dim3A_408] : memref<512x16xf32, #tpu.memory_space<vmem>>[vector<16xi32>, vector<16xi32>], vector<16xf32>,
      %mul3A_415 = arith.mulf %gather3A_413, %gather3A_414 : vector<16xf32>
      %add3A_416 = arith.addf %add3A_412, %mul3A_415 : vector<16xf32>
      %broadcast_in_dim3A_417 = arith.constant 15 : i32
      %broadcast_in_dim3A_418 = vector.broadcast %broadcast_in_dim3A_417 : i32 to vector<16xi32>
      %gather3A_419 = tpu.vector_load_idx %arg11[%add3A_266, %broadcast_in_dim3A_418] : memref<512x16xf32, #tpu.memory_space<vmem>>[vector<16xi32>, vector<16xi32>], vector<16xf32>,
      %gather3A_420 = tpu.vector_load_idx %arg12[%add3A_266, %broadcast_in_dim3A_418] : memref<512x16xf32, #tpu.memory_space<vmem>>[vector<16xi32>, vector<16xi32>], vector<16xf32>,
      %mul3A_421 = arith.mulf %gather3A_419, %gather3A_420 : vector<16xf32>
      %add3A_422 = arith.addf %add3A_416, %mul3A_421 : vector<16xf32>
      %gather3A_423 = tpu.vector_load_idx %arg13[%add3A_266, %broadcast_in_dim3A_418] : memref<512x16xf32, #tpu.memory_space<vmem>>[vector<16xi32>, vector<16xi32>], vector<16xf32>,
      %gather3A_424 = tpu.vector_load_idx %arg14[%add3A_266, %broadcast_in_dim3A_418] : memref<512x16xf32, #tpu.memory_space<vmem>>[vector<16xi32>, vector<16xi32>], vector<16xf32>,
      %mul3A_425 = arith.mulf %gather3A_423, %gather3A_424 : vector<16xf32>
      %add3A_426 = arith.addf %add3A_422, %mul3A_425 : vector<16xf32>
      %mul3A_427 = arith.constant 16 : i32
      %mul3A_428 = arith.muli %scan3A_262, %mul3A_427 : i32
      %swap3A = arith.index_cast %mul3A_428 : i32 to index
      %swap3A_429 = tpu.vector_load %arg15[%swap3A] {strides = array<i32>} : memref<512xf32, #tpu.memory_space<vmem>>, vector<16xf32>,
      tpu.vector_store %arg15[%swap3A], %add3A_426 {strides = array<i32>} : memref<512xf32, #tpu.memory_space<vmem>>, vector<16xf32>,
    }
    %scan3A_261 = arith.constant 32 : i32
    "tpu.region"() ({
      %run_scoped3A = tpu.sem_alloc : memref<!tpu.dma_semaphore, #tpu.memory_space<semaphore_mem>>
      %dma_start3A_262 = tpu.memref_slice %arg8[%mul3A_2] : memref<16384xf32, #tpu.memory_space<hbm>> -> memref<512xf32, #tpu.memory_space<hbm>>
      %dma_start3A_263 = tpu.memref_slice %arg8[%mul3A_2] : memref<16384xf32, #tpu.memory_space<hbm>> -> memref<512xf32, #tpu.memory_space<hbm>>
      tpu.enqueue_dma source(%arg15 : memref<512xf32, #tpu.memory_space<vmem>>) target(%dma_start3A_263 : memref<512xf32, #tpu.memory_space<hbm>>) target_semaphore(%run_scoped3A : memref<!tpu.dma_semaphore, #tpu.memory_space<semaphore_mem>>)
      %dma_wait3A_264 = tpu.memref_slice %arg8[%mul3A_2] : memref<16384xf32, #tpu.memory_space<hbm>> -> memref<512xf32, #tpu.memory_space<hbm>>
      %dma_wait3A_265 = tpu.memref_slice %arg8[%mul3A_2] : memref<16384xf32, #tpu.memory_space<hbm>> -> memref<512xf32, #tpu.memory_space<hbm>>
      tpu.wait_dma2 semaphore(%run_scoped3A : memref<!tpu.dma_semaphore, #tpu.memory_space<semaphore_mem>>) src(%arg15 : memref<512xf32, #tpu.memory_space<vmem>>) dst(%dma_wait3A_265 : memref<512xf32, #tpu.memory_space<hbm>>)
      tpu.yield
    }) : () -> ()
    return
  }
}

</mosaic_0001>

<sc_bundles>
// kernel: kernel.3.cloned.1.call-start
scs
__scs_entry_jumppad:
0x0: {  	(pc) =	sbr.rel $0x88, $3  }
0x1: {  	(tag) =	ssettag $0x0;
	lr =	simm.s32 $0x1  }
0x2: {  	[smem:$0x3F9B] =	sst lr;
	_ =	strace $0xD0000000  }
0x3: {  	_ = 	snop  }
0x4: {  	_ = 	snop  }
0x5: {  	_ = 	snop  }
0x6: {  	_ = 	snop  }
0x7: {  	_ = 	snop  }
__scs_overlays_trampoline_lowered:
0x8: {  	[smem:$0x3FAA] =	sst s0  }
0x9: {  	[smem:$0x3FAB] =	sst s1  }
0xa: {  	[smem:$0x3FAC] =	sst s2  }
0xb: {  	[smem:$0x3FAD] =	sst s3  }
0xc: {  	[smem:$0x3FAE] =	sst s4  }
0xd: {  	[smem:$0x3FAF] =	sst s5  }
0xe: {  	[smem:$0x3FB0] =	sst s6  }
0xf: {  	[smem:$0x3FB1] =	sst s7  }
0x10: {  	[smem:$0x3FB2] =	sst s8  }
0x11: {  	[smem:$0x3FB3] =	sst s9;
	s0 =	simm.s32 @!p0 $0x0  }
0x12: {  	s1 =	sld [smem:$0x3F99];
	s0 =	simm.s32 @p0 $0x1  }
0x13: {  	[smem:$0x3FB4] =	sst s0;
	s0 =	simm.s32 @!p1 $0x0  }
0x14: {  	s2 =	sld [smem:$0x3F98];
	s0 =	simm.s32 @p1 $0x1  }
0x15: {  	[smem:$0x3FB5] =	sst s0;
	s0 =	simm.s32 @!p2 $0x0  }
0x16: {  	s3 =	sld [smem:$0x3FDB];
	s0 =	simm.s32 @p2 $0x1  }
0x17: {  	s4 =	simm.s32 $0x1BF5;
	[smem:$0x3FB7] =	sst s0  }
0x18: {  	s0 =	sld [smem:$0x3F9A];
	_ =	swait.ge [sflag:s4], $0x0  }
0x19: {  	s7 =	sld [smem:$0x3F9B]  }
0x1a: {  	s8 =	sadd.s32 $0xFFFFE003, lr  }
0x1b: {  	s9 =	sadd.s32 $0xFFFFFEF7, lr;
	s5 =	simm.s32 $0xFFFFFFFF;
	p2 =	slt.u32 s8, $0xFFFFF086  }
0x1c: {  	p1 =	slt.u32 s9, $0xF7A;
	s5 =	simm.s32 @!p2 $0x0  }
0x1d: {  	s5 =	simm.s32 @p1 $0x1;
	p0 =	seq.s32 s7, s2  }
0x1e: {  	s7 =	smul.u32 @!p0 $0xF7A, s2;
	p2 =	seq.s32 @!p0 s5, $0x0  }
0x1f: {  	s9 =	smul.u32 $0xF7A, s1;
	s8 =	simm.s32 @!p0 $0x1BF5;
	p2 =	por !p2, p0  }
0x20: {  	[sflag:s8] =	ssyncset.s32 @!p0 $0xFFFFF086;
	s6 =	sadd.s32 @!p0 s3, s7;
	s7 =	simm.s32 @!p0 $0x108  }
0x21: {  	s3 =	sadd.s32 s3, s9;
	s6 =	sadd.s32 @!p0 $0x88, s6;
	s7 =	simm.s32 @p2 $0x1082  }
0x22: {  	[simem:s7], [sflag:s8] =	dma.local @!p0 [hbm:s6], $0xF7A  }
0x23: {  	s9 =	sor.u32 $0xD0000000, s2;
	s6 =	simm.s32 $0x108;
	_ =	swait.ge @!p0 [sflag:s8], $0x0  }
0x24: {  	s3 =	sadd.s32 $0x88, s3;
	s6 =	simm.s32 @!p1 $0x1082;
	[sflag:s4] =	ssyncset.s32 $0xFFFFF086  }
0x25: {  	[simem:s6], [sflag:s4] =	dma.local [hbm:s3], $0xF7A  }
0x26: {  	[smem:$0x3F9B] =	sst s1;
	(tag) =	ssettag s2;
	_ =	strace s9  }
0x27: {  	s1 =	sld [smem:$0x3FAB]  }
0x28: {  	s2 =	sld [smem:$0x3FAC]  }
0x29: {  	s4 =	sld [smem:$0x3FAE]  }
0x2a: {  	p0 =	seq.s32 s5, $0x0;
	s5 =	sld [smem:$0x3FAF]  }
0x2b: {  	s6 =	sld [smem:$0x3FB0]  }
0x2c: {  	s7 =	sld [smem:$0x3FB1]  }
0x2d: {  	s3 =	simm.s32 $0x108;
	s8 =	sld [smem:$0x3FB2]  }
0x2e: {  	s3 =	simm.s32 @!p0 $0x1082;
	s9 =	sld [smem:$0x3FB3]  }
0x2f: {  	lr =	sadd.s32 s0, s3;
	s0 =	sld [smem:$0x3FAA]  }
0x30: {  	s3 =	sld [smem:$0x3FAD]  }
0x31: {  	[smem:$0x3FB6] =	sst s10  }
0x32: {  	s10 =	sld [smem:$0x3FB4];
	_ =	sdelay $0x3  }
0x33: {  	p0 =	seq.s32 s10, $0x1;
	s10 =	sld [smem:$0x3FB6];
	_ =	sdelay $0x3  }
0x34: {  	[smem:$0x3FB6] =	sst s10  }
0x35: {  	s10 =	sld [smem:$0x3FB5];
	_ =	sdelay $0x3  }
0x36: {  	p1 =	seq.s32 s10, $0x1;
	s10 =	sld [smem:$0x3FB6];
	_ =	sdelay $0x3  }
0x37: {  	[smem:$0x3FB6] =	sst s10  }
0x38: {  	s10 =	sld [smem:$0x3FB7]  }
0x39: {  	_ = 	snop;
	(pc) =	sbr.ind lr, $3  }
0x3a: {  	_ = 	snop  }
0x3b: {  	_ = 	snop  }
0x3c: {  	p2 =	seq.s32 s10, $0x1;
	s10 =	sld [smem:$0x3FB6]  }
0x3d: {  	_ =	shalt  }
0x3e: {  	_ =	shalt  }
0x3f: {  	_ =	shalt  }
0x40: {  	_ =	shalt  }
0x41: {  	_ =	shalt  }
0x42: {  	_ =	shalt  }
0x43: {  	_ =	shalt  }
0x44: {  	_ =	shalt  }
0x45: {  	_ =	shalt  }
0x46: {  	_ =	shalt  }
0x47: {  	_ =	shalt  }
0x48: {  	_ =	shalt  }
0x49: {  	_ =	shalt  }
0x4a: {  	_ =	shalt  }
0x4b: {  	_ =	shalt  }
0x4c: {  	_ =	shalt  }
0x4d: {  	_ =	shalt  }
0x4e: {  	_ =	shalt  }
0x4f: {  	_ =	shalt  }
0x50: {  	_ =	shalt  }
0x51: {  	_ =	shalt  }
0x52: {  	_ =	shalt  }
0x53: {  	_ =	shalt  }
0x54: {  	_ =	shalt  }
0x55: {  	_ =	shalt  }
0x56: {  	_ =	shalt  }
0x57: {  	_ =	shalt  }
0x58: {  	_ =	shalt  }
0x59: {  	_ =	shalt  }
0x5a: {  	_ =	shalt  }
0x5b: {  	_ =	shalt  }
0x5c: {  	_ =	shalt  }
0x5d: {  	_ =	shalt  }
0x5e: {  	_ =	shalt  }
0x5f: {  	_ =	shalt  }
0x60: {  	_ =	shalt  }
0x61: {  	_ =	shalt  }
0x62: {  	_ =	shalt  }
0x63: {  	_ =	shalt  }
0x64: {  	_ =	shalt  }
0x65: {  	_ =	shalt  }
0x66: {  	_ =	shalt  }
0x67: {  	_ =	shalt  }
0x68: {  	_ =	shalt  }
0x69: {  	_ =	shalt  }
0x6a: {  	_ =	shalt  }
0x6b: {  	_ =	shalt  }
0x6c: {  	_ =	shalt  }
0x6d: {  	_ =	shalt  }
0x6e: {  	_ =	shalt  }
0x6f: {  	_ =	shalt  }
0x70: {  	_ =	shalt  }
0x71: {  	_ =	shalt  }
0x72: {  	_ =	shalt  }
0x73: {  	_ =	shalt  }
0x74: {  	_ =	shalt  }
0x75: {  	_ =	shalt  }
0x76: {  	_ =	shalt  }
0x77: {  	_ =	shalt  }
0x78: {  	_ =	shalt  }
0x79: {  	_ =	shalt  }
0x7a: {  	_ =	shalt  }
0x7b: {  	_ =	shalt  }
0x7c: {  	_ =	shalt  }
0x7d: {  	_ =	shalt  }
0x7e: {  	_ =	shalt  }
0x7f: {  	_ =	shalt  }
0x80: {  	_ =	shalt  }
0x81: {  	_ =	shalt  }
0x82: {  	_ =	shalt  }
0x83: {  	_ =	shalt  }
0x84: {  	_ =	shalt  }
0x85: {  	_ =	shalt  }
0x86: {  	_ =	shalt  }
0x87: {  	_ =	shalt  }
.Lfunc_end0:
.L_simem_size_0:
called_computation_lowered:
.L_overlay_start_0:
0x88: {  	s2 =	sld [smem:$0x3FD9]  }
0x89: {  	s3 =	sld [smem:$0x3FFE];
	_ =	sdelay $0x1  }
0x8a: {  	s1 =	srdreg.scid  }
0x8b: {  	s0 =	sand.u32 $0x1, s1  }
0x8c: {  	s17 =	sshll.u32 s0, $0xA;
	s2 =	sadd.s32 s3, s2  }
0x8d: {  	s2 =	sadd.s32 s2, s17  }
0x8e: {  	[smem:$0x3FC2] =	sst s2  }
0x8f: {  	_ = 	snop  }
0x90: {  	s2 =	sld [smem:$0x3FC9]  }
0x91: {  	s18 =	sld [smem:$0x3FC8]  }
0x92: {  	s4 =	sld [smem:$0x3FD0];
	(tm) =	ssettm $0x1  }
0x93: {  	s5 =	sld [smem:$0x3FFB];
	_ =	sdelay $0x3  }
0x94: {  	_ =	strace s5  }
0x95: {  	s5 =	sld [smem:$0x3FFC];
	_ =	sdelay $0x3  }
0x96: {  	_ =	strace s5  }
0x97: {  	s5 =	sld [smem:$0x3FFD];
	_ =	sdelay $0x3  }
0x98: {  	_ =	strace s5  }
0x99: {  	_ =	strace $0x8FFFFFFF  }
0x9a: {  	s19 =	sld [smem:$0x3FDB];
	_ =	sdelay $0x1  }
0x9b: {  	s6 =	simm.s32 $_scs_section_size  }
0x9c: {  	s7 =	simm.s32 $_size__tile_overlayer_lowered;
	s8 =	simm.s32 $_tile_overlayer_lowered  }
0x9d: {  	s22 =	simm.s32 $0x1BFF;
	s21 =	sshll.u32 s8, $0x1;
	s5 =	sadd.s32 s6, s19  }
0x9e: {  	s9 =	simm.s32 $0x0;
	s20 =	sshll.u32 s7, $0x1;
	s7 =	sadd.s32 s21, s5  }
0x9f: {  	[timem:s9], [sflag:s22] =	dma.local [hbm:s7], s20  }
0xa0: {  	_ =	swait.ge [sflag:s22], s20  }
0xa1: {  	s6 =	ssub.s32 $0x0, s20;
	[sflag:s22] =	ssyncset.done $0x0  }
0xa2: {  	[sflag:s22] =	ssyncadd.s32 s6;
	_ =	sdelay $0x1  }
0xa3: {  	s23 =	simm.s32 $0x1B8B  }
0xa4: {  	_ =	swait.ge [sflag:s23], $0x1  }
0xa5: {  	[sflag:s23] =	ssyncset.done $0x0  }
0xa6: {  	s25 =	simm.s32 $0x1B8E;
	s24 =	sld [smem:$0x3FFE];
	[sflag:s23] =	ssyncadd.s32 $0xFFFFFFFF  }
0xa7: {  	s26 =	simm.s32 $execute0_lowered;
	[smem:$0x3FD2] =	sst s25  }
0xa8: {  	s7 =	sshll.u32 s26, $0x1;
	_ =	strace $0x80000046;
	[dreg:$0x1] =	wrdreg $0xFFFFFFFF  }
0xa9: {  	s28 =	simm.s32 $_size_execute0_lowered;
	s5 =	sadd.s32 s5, s7;
	[dreg:$0x0] =	wrdreg $0x0  }
0xaa: {  	s7 =	sshll.u32 s28, $0x1;
	[dreg:$0x2] =	wrdreg s5  }
0xab: {  	[dreg:$0x3] =	wrdreg s7  }
0xac: {  	[dreg:$0x4] =	wrdreg $0xC0  }
0xad: {  	_ =	task [dreg:s9], $0x5FFFF  }
0xae: {  	[dreg:$0x1] =	wrdreg $0xFFFFFFFF  }
0xaf: {  	[dreg:$0x0] =	wrdreg $0x60  }
0xb0: {  	[dreg:$0x2] =	wrdreg s2  }
0xb1: {  	[dreg:$0x3] =	wrdreg s18  }
0xb2: {  	[dreg:$0x4] =	wrdreg s24  }
0xb3: {  	[dreg:$0x5] =	wrdreg s4  }
0xb4: {  	[dreg:$0x6] =	wrdreg $0x9  }
0xb5: {  	_ =	task.clear_ibuf [dreg:s9], $0x7FFFF;
	_ =	strace $0x90000046  }
0xb6: {  	s29 =	simm.s32 $0x9;
	_ =	strace $0x80000048  }
0xb7: {  	_ =	swait.ge [sflag:s29], $0x1  }
0xb8: {  	[sflag:s29] =	ssyncadd.s32 $0xFFFFFFFF  }
0xb9: {  	_ =	strace $0x90000048  }
0xba: {  	_ =	sfence  }
0xbb: {  	s30 =	sld [smem:$0x0];
	_ =	sdelay $0x2  }
0xbc: {  	s31 =	sshll.u32 s1, $0xD;
	s1 =	sshrl.u32 s1, $0x2  }
0xbd: {  	s3 =	sand.u32 $0x4000, s31;
	s1 =	sadd.s32 s1, s30  }
0xbe: {  	s0 =	sor.u32 s3, s0;
	s1 =	sshll.u32 s1, $0x11  }
0xbf: {  	s0 =	sor.u32 s1, s0  }
0xc0: {  	s0 =	sadd.s32 $0x8F2B, s0  }
0xc1: {  	[sflag:s0] =	ssyncadd.remote.s32 $0x1  }
0xc2: {  	_ =	sfence.sel $0xFFFF  }
0xc3: {  	[dreg:$0x0] =	wrdreg $0xFFFFFFFF;
	(pc) =	sbr.abs _section_cstart, $3  }
0xc4: {  	[dreg:$0x1] =	wrdreg $0xFFFFFFFF  }
0xc5: {  	_ =	task.clear_ibuf [dreg:s9], $0x2FFFF;
	_ =	strace $0x9FFFFFFF  }
0xc6: {  	(tm) =	ssettm $0x7FFFFFFF  }
0xc7: {  	_ =	shalt  }
tec
execute0_lowered:
.L_overlay_start_1:
0x0: {  	(tag) =	ssettag $0x1  }
0x1: {  	s0 =	rddreg [dreg:$0x0]  }
0x2: {  	s2 =	rddreg [dreg:$0x1]  }
0x3: {  	s6 =	rddreg [dreg:$0x2]  }
0x4: {  	s9 =	rddreg [dreg:$0x3];
	s1 =	simm.s32 $0x0  }
0x5: {  	s5 =	srdreg.scid;
	s8 =	stileid.u32;
	s12 =	simm.s32 $0x200  }
0x6: {  	s13 =	simm.s32 $0x80;
	s14 =	simm.s32 $0x400;
	s15 =	simm.s32 $0x2400  }
0x7: {  	s16 =	simm.s32 $0x4400;
	s17 =	simm.s32 $0x6400;
	s19 =	simm.s32 $0x280  }
0x8: {  	s23 =	simm.s32 $0x100;
	s25 =	simm.s32 $0x300;
	s29 =	simm.s32 $0x7400  }
0x9: {  	s30 =	simm.s32 $0x180;
	s31 =	simm.s32 $0x1C00;
	s18 =	simm.s32 $0x5C00  }
0xa: {  	s20 =	simm.s32 $0x7C00;
	s21 =	simm.s32 $0x1;
	s22 =	simm.s32 $0x8400  }
0xb: {  	s24 =	simm.s32 $0x0;
	[smem:$0x7FF] =	sst s1;
	s3 =	sadd.s32 $0xF42800, s6  }
0xc: {  	s4 =	sadd.s32 $0x112AE00, s6;
	s5 =	sand.u32 $0x1, s5;
	s8 =	sshll.u32 s8, $0x7  }
0xd: {  	_ =	strace $0x80000047;
	s7 =	ssub.s32 $0x2, s5;
	s10 =	sshll.u32 s5, $0x6  }
0xe: {  	s5 =	sadd.s32 $0x1313400, s6;
	s11 =	sshrl.u32 s7, $0x1;
	s10 =	sor.u32 s10, s8  }
0xf: {  	v0 =	vlaneseq.u32;
	s6 =	sadd.s32 $0x14FBA00, s6;
	s11 =	ssub.s32 s7, s11;
	s7 =	sadd.s32 s0, s10  }
0x10: {  	v0 =	vmul.u32 $0x10, v0;
	s8 =	sadd.s32 s2, s10;
	s9 =	sadd.s32 s9, s10;
	s0 =	simm.s32 $0x380  }
0x11: {  	s2 =	simm.s32 $0x3C00;
	s10 =	smax.u32 s11, $0x1;
	s11 =	simm.s32 $0x2  }
.LBB2_1:
0x12: {  	[tilespmem:s1], [sflag:$0x2] =	stream.linear.gather [hbm4b:s7+s1], $0x200, $0x38;
	[tilespmem:$0x8600] =	vst v63  }
0x13: {  	_ =	swait.ge [sflag:s11], $0x200  }
0x14: {  	[sflag:s11] =	ssyncset.done $0x0  }
0x15: {  	[sflag:s11] =	ssyncadd.s32 $0xFFFFFE00  }
0x16: {  	[tilespmem:s12], [sflag:$0x2] =	stream.linear.gather [hbm4b:s8+s1], $0x200, $0x38;
	[tilespmem:$0x8600] =	vst v63  }
0x17: {  	_ =	swait.ge [sflag:s11], $0x200  }
0x18: {  	[sflag:s11] =	ssyncset.done $0x0  }
0x19: {  	[sflag:s11] =	ssyncadd.s32 $0xFFFFFE00  }
0x1a: {  	[tilespmem:s14], [sflag:$0x1] =	stream.indirect.gather [hbm4b:s3+s13], $0x10, s1, s13, $0xb8;
	[tilespmem:$0x8600] =	vst v63  }
0x1b: {  	_ = 	snop  }
0x1c: {  	[tilespmem:s15], [sflag:$0x1] =	stream.indirect.gather [hbm4b:s4+s13], $0x10, s12, s13, $0xb8;
	[tilespmem:$0x8600] =	vst v63  }
0x1d: {  	_ = 	snop  }
0x1e: {  	[tilespmem:s16], [sflag:$0x1] =	stream.indirect.gather [hbm4b:s5+s13], $0x10, s1, s13, $0xb8;
	[tilespmem:$0x8600] =	vst v63  }
0x1f: {  	_ = 	snop  }
0x20: {  	[tilespmem:s17], [sflag:$0x1] =	stream.indirect.gather [hbm4b:s6+s13], $0x10, s12, s13, $0xb8;
	[tilespmem:$0x8600] =	vst v63  }
0x21: {  	s26 =	simm.s32 $0xC00  }
0x22: {  	[tilespmem:s26], [sflag:$0x1] =	stream.indirect.gather [hbm4b:s3+s13], $0x10, s13, s13, $0xb8;
	[tilespmem:$0x8600] =	vst v63  }
0x23: {  	s26 =	simm.s32 $0x2C00  }
0x24: {  	[tilespmem:s26], [sflag:$0x1] =	stream.indirect.gather [hbm4b:s4+s13], $0x10, s19, s13, $0xb8;
	[tilespmem:$0x8600] =	vst v63  }
0x25: {  	s26 =	simm.s32 $0x4C00  }
0x26: {  	[tilespmem:s26], [sflag:$0x1] =	stream.indirect.gather [hbm4b:s5+s13], $0x10, s13, s13, $0xb8;
	[tilespmem:$0x8600] =	vst v63  }
0x27: {  	s26 =	simm.s32 $0x6C00  }
0x28: {  	[tilespmem:s26], [sflag:$0x1] =	stream.indirect.gather [hbm4b:s6+s13], $0x10, s19, s13, $0xb8;
	[tilespmem:$0x8600] =	vst v63  }
0x29: {  	s26 =	simm.s32 $0x1400  }
0x2a: {  	[tilespmem:s26], [sflag:$0x1] =	stream.indirect.gather [hbm4b:s3+s13], $0x10, s23, s13, $0xb8;
	[tilespmem:$0x8600] =	vst v63  }
0x2b: {  	s26 =	simm.s32 $0x3400  }
0x2c: {  	[tilespmem:s26], [sflag:$0x1] =	stream.indirect.gather [hbm4b:s4+s13], $0x10, s25, s13, $0xb8;
	[tilespmem:$0x8600] =	vst v63  }
0x2d: {  	s26 =	simm.s32 $0x5400  }
0x2e: {  	[tilespmem:s26], [sflag:$0x1] =	stream.indirect.gather [hbm4b:s5+s13], $0x10, s23, s13, $0xb8;
	[tilespmem:$0x8600] =	vst v63  }
0x2f: {  	_ = 	snop  }
0x30: {  	[tilespmem:s29], [sflag:$0x1] =	stream.indirect.gather [hbm4b:s6+s13], $0x10, s25, s13, $0xb8;
	[tilespmem:$0x8600] =	vst v63  }
0x31: {  	_ = 	snop  }
0x32: {  	[tilespmem:s31], [sflag:$0x1] =	stream.indirect.gather [hbm4b:s3+s13], $0x10, s30, s13, $0xb8;
	[tilespmem:$0x8600] =	vst v63  }
0x33: {  	_ = 	snop  }
0x34: {  	[tilespmem:s2], [sflag:$0x1] =	stream.indirect.gather [hbm4b:s4+s13], $0x10, s0, s13, $0xb8;
	[tilespmem:$0x8600] =	vst v63  }
0x35: {  	_ = 	snop  }
0x36: {  	[tilespmem:s18], [sflag:$0x1] =	stream.indirect.gather [hbm4b:s5+s13], $0x10, s30, s13, $0xb8;
	[tilespmem:$0x8600] =	vst v63  }
0x37: {  	_ = 	snop  }
0x38: {  	[tilespmem:s20], [sflag:$0x1] =	stream.indirect.gather [hbm4b:s6+s13], $0x10, s0, s13, $0xb8;
	[tilespmem:$0x8600] =	vst v63  }
0x39: {  	_ =	swait.ge [sflag:s21], $0x800  }
0x3a: {  	[sflag:s21] =	ssyncset.done $0x0  }
0x3b: {  	[sflag:s21] =	ssyncadd.s32 $0xFFFFF800  }
0x3c: {  	_ =	swait.ge [sflag:s21], $0x800  }
0x3d: {  	[sflag:s21] =	ssyncset.done $0x0  }
0x3e: {  	[sflag:s21] =	ssyncadd.s32 $0xFFFFF800  }
0x3f: {  	_ =	swait.ge [sflag:s21], $0x800  }
0x40: {  	[sflag:s21] =	ssyncset.done $0x0  }
0x41: {  	[sflag:s21] =	ssyncadd.s32 $0xFFFFF800  }
0x42: {  	_ =	swait.ge [sflag:s21], $0x800  }
0x43: {  	[sflag:s21] =	ssyncset.done $0x0  }
0x44: {  	[sflag:s21] =	ssyncadd.s32 $0xFFFFF800  }
0x45: {  	_ =	swait.ge [sflag:s21], $0x800  }
0x46: {  	[sflag:s21] =	ssyncset.done $0x0  }
0x47: {  	[sflag:s21] =	ssyncadd.s32 $0xFFFFF800  }
0x48: {  	_ =	swait.ge [sflag:s21], $0x800  }
0x49: {  	[sflag:s21] =	ssyncset.done $0x0  }
0x4a: {  	[sflag:s21] =	ssyncadd.s32 $0xFFFFF800  }
0x4b: {  	_ =	swait.ge [sflag:s21], $0x800  }
0x4c: {  	[sflag:s21] =	ssyncset.done $0x0  }
0x4d: {  	[sflag:s21] =	ssyncadd.s32 $0xFFFFF800  }
0x4e: {  	_ =	swait.ge [sflag:s21], $0x800  }
0x4f: {  	[sflag:s21] =	ssyncset.done $0x0  }
0x50: {  	[sflag:s21] =	ssyncadd.s32 $0xFFFFF800  }
0x51: {  	_ =	swait.ge [sflag:s21], $0x800  }
0x52: {  	[sflag:s21] =	ssyncset.done $0x0  }
0x53: {  	[sflag:s21] =	ssyncadd.s32 $0xFFFFF800  }
0x54: {  	_ =	swait.ge [sflag:s21], $0x800  }
0x55: {  	[sflag:s21] =	ssyncset.done $0x0  }
0x56: {  	[sflag:s21] =	ssyncadd.s32 $0xFFFFF800  }
0x57: {  	_ =	swait.ge [sflag:s21], $0x800  }
0x58: {  	[sflag:s21] =	ssyncset.done $0x0  }
0x59: {  	[sflag:s21] =	ssyncadd.s32 $0xFFFFF800  }
0x5a: {  	_ =	swait.ge [sflag:s21], $0x800  }
0x5b: {  	[sflag:s21] =	ssyncset.done $0x0  }
0x5c: {  	[sflag:s21] =	ssyncadd.s32 $0xFFFFF800  }
0x5d: {  	_ =	swait.ge [sflag:s21], $0x800  }
0x5e: {  	[sflag:s21] =	ssyncset.done $0x0  }
0x5f: {  	[sflag:s21] =	ssyncadd.s32 $0xFFFFF800  }
0x60: {  	_ =	swait.ge [sflag:s21], $0x800  }
0x61: {  	[sflag:s21] =	ssyncset.done $0x0  }
0x62: {  	v1 =	vmov s1;
	[sflag:s21] =	ssyncadd.s32 $0xFFFFF800  }
0x63: {  	v1 =	vshll.u32 v1, $0x4;
	_ =	swait.ge [sflag:s21], $0x800  }
0x64: {  	v1 =	vor.u32 v0, v1;
	[sflag:s21] =	ssyncset.done $0x0  }
0x65: {  	[sflag:s21] =	ssyncadd.s32 $0xFFFFF800  }
0x66: {  	_ =	swait.ge [sflag:s21], $0x800  }
0x67: {  	[sflag:s21] =	ssyncset.done $0x0  }
0x68: {  	v2 =	vor.u32 $0x1, v1;
	[sflag:s21] =	ssyncadd.s32 $0xFFFFF800  }
0x69: {  	v3 =	vld.idx.msk [tilespmem:v1+s15+$0x0], $0xffff  }
0x6a: {  	v4 =	vld.idx.msk [tilespmem:v1+s14+$0x0], $0xffff  }
0x6b: {  	v5 =	vld.idx.msk [tilespmem:v1+s16+$0x0], $0xffff  }
0x6c: {  	v7 =	vor.u32 $0x2, v1;
	v6 =	vld.idx.msk [tilespmem:v1+s17+$0x0], $0xffff  }
0x6d: {  	v8 =	vld.idx.msk [tilespmem:v2+s14+$0x0], $0xffff  }
0x6e: {  	v9 =	vld.idx.msk [tilespmem:v2+s15+$0x0], $0xffff  }
0x6f: {  	v10 =	vld.idx.msk [tilespmem:v2+s16+$0x0], $0xffff;
	v3 =	vmul.f32 v3, v4  }
0x70: {  	v2 =	vld.idx.msk [tilespmem:v2+s17+$0x0], $0xffff;
	v4 =	vor.u32 $0x3, v1  }
0x71: {  	v11 =	vld.idx.msk [tilespmem:v7+s14+$0x0], $0xffff;
	v5 =	vmul.f32 v6, v5;
	v3 =	vadd.f32 $0.0e+00, v3  }
0x72: {  	v6 =	vld.idx.msk [tilespmem:v7+s15+$0x0], $0xffff  }
0x73: {  	v12 =	vld.idx.msk [tilespmem:v7+s16+$0x0], $0xffff;
	v3 =	vadd.f32 v5, v3;
	v5 =	vmul.f32 v9, v8  }
0x74: {  	v46 =	vor.u32 $0x4, v1;
	v7 =	vld.idx.msk [tilespmem:v7+s17+$0x0], $0xffff  }
0x75: {  	v2 =	vmul.f32 v2, v10;
	v47 =	vld.idx.msk [tilespmem:v4+s14+$0x0], $0xffff;
	v3 =	vadd.f32 v5, v3  }
0x76: {  	v5 =	vld.idx.msk [tilespmem:v4+s15+$0x0], $0xffff  }
0x77: {  	v48 =	vld.idx.msk [tilespmem:v4+s16+$0x0], $0xffff;
	v2 =	vadd.f32 v2, v3;
	v3 =	vmul.f32 v6, v11  }
0x78: {  	v4 =	vld.idx.msk [tilespmem:v4+s17+$0x0], $0xffff;
	v6 =	vor.u32 $0x5, v1  }
0x79: {  	v49 =	vld.idx.msk [tilespmem:v46+s14+$0x0], $0xffff;
	v2 =	vadd.f32 v3, v2;
	v3 =	vmul.f32 v7, v12  }
0x7a: {  	v7 =	vld.idx.msk [tilespmem:v46+s15+$0x0], $0xffff  }
0x7b: {  	v50 =	vld.idx.msk [tilespmem:v46+s16+$0x0], $0xffff;
	v2 =	vadd.f32 v3, v2;
	v3 =	vmul.f32 v5, v47  }
0x7c: {  	v51 =	vor.u32 $0x6, v1;
	v5 =	vld.idx.msk [tilespmem:v46+s17+$0x0], $0xffff  }
0x7d: {  	v52 =	vld.idx.msk [tilespmem:v6+s14+$0x0], $0xffff;
	v2 =	vadd.f32 v3, v2;
	v3 =	vmul.f32 v4, v48  }
0x7e: {  	v4 =	vld.idx.msk [tilespmem:v6+s15+$0x0], $0xffff  }
0x7f: {  	v53 =	vld.idx.msk [tilespmem:v6+s16+$0x0], $0xffff;
	v2 =	vadd.f32 v3, v2;
	v3 =	vmul.f32 v7, v49  }
0x80: {  	v6 =	vld.idx.msk [tilespmem:v6+s17+$0x0], $0xffff;
	v7 =	vor.u32 $0x7, v1  }
0x81: {  	v54 =	vld.idx.msk [tilespmem:v51+s14+$0x0], $0xffff;
	v2 =	vadd.f32 v3, v2;
	v3 =	vmul.f32 v5, v50  }
0x82: {  	v5 =	vld.idx.msk [tilespmem:v51+s15+$0x0], $0xffff  }
0x83: {  	v55 =	vld.idx.msk [tilespmem:v51+s16+$0x0], $0xffff;
	v2 =	vadd.f32 v3, v2;
	v3 =	vmul.f32 v4, v52  }
0x84: {  	v56 =	vor.u32 $0x8, v1;
	v4 =	vld.idx.msk [tilespmem:v51+s17+$0x0], $0xffff  }
0x85: {  	v57 =	vld.idx.msk [tilespmem:v7+s14+$0x0], $0xffff;
	v2 =	vadd.f32 v3, v2;
	v3 =	vmul.f32 v6, v53  }
0x86: {  	v6 =	vld.idx.msk [tilespmem:v7+s15+$0x0], $0xffff  }
0x87: {  	v58 =	vld.idx.msk [tilespmem:v7+s16+$0x0], $0xffff;
	v2 =	vadd.f32 v3, v2;
	v3 =	vmul.f32 v5, v54  }
0x88: {  	v5 =	vld.idx.msk [tilespmem:v7+s17+$0x0], $0xffff;
	v7 =	vor.u32 $0x9, v1  }
0x89: {  	v59 =	vld.idx.msk [tilespmem:v56+s14+$0x0], $0xffff;
	v2 =	vadd.f32 v3, v2;
	v3 =	vmul.f32 v4, v55  }
0x8a: {  	v4 =	vld.idx.msk [tilespmem:v56+s15+$0x0], $0xffff  }
0x8b: {  	v60 =	vld.idx.msk [tilespmem:v56+s16+$0x0], $0xffff;
	v2 =	vadd.f32 v3, v2;
	v3 =	vmul.f32 v6, v57  }
0x8c: {  	v61 =	vor.u32 $0xA, v1;
	v6 =	vld.idx.msk [tilespmem:v56+s17+$0x0], $0xffff  }
0x8d: {  	v62 =	vld.idx.msk [tilespmem:v7+s14+$0x0], $0xffff;
	v2 =	vadd.f32 v3, v2;
	v3 =	vmul.f32 v5, v58  }
0x8e: {  	v5 =	vld.idx.msk [tilespmem:v7+s15+$0x0], $0xffff  }
0x8f: {  	v63 =	vld.idx.msk [tilespmem:v7+s16+$0x0], $0xffff;
	v2 =	vadd.f32 v3, v2;
	v3 =	vmul.f32 v4, v59  }
0x90: {  	v4 =	vld.idx.msk [tilespmem:v7+s17+$0x0], $0xffff;
	v7 =	vor.u32 $0xB, v1  }
0x91: {  	v16 =	vld.idx.msk [tilespmem:v61+s14+$0x0], $0xffff;
	v2 =	vadd.f32 v3, v2;
	v3 =	vmul.f32 v6, v60  }
0x92: {  	v6 =	vld.idx.msk [tilespmem:v61+s15+$0x0], $0xffff  }
0x93: {  	v17 =	vld.idx.msk [tilespmem:v61+s16+$0x0], $0xffff;
	v2 =	vadd.f32 v3, v2;
	v3 =	vmul.f32 v5, v62  }
0x94: {  	v18 =	vor.u32 $0xC, v1;
	v5 =	vld.idx.msk [tilespmem:v61+s17+$0x0], $0xffff  }
0x95: {  	v19 =	vld.idx.msk [tilespmem:v7+s14+$0x0], $0xffff;
	v2 =	vadd.f32 v3, v2;
	v3 =	vmul.f32 v4, v63  }
0x96: {  	v4 =	vld.idx.msk [tilespmem:v7+s15+$0x0], $0xffff  }
0x97: {  	v20 =	vld.idx.msk [tilespmem:v7+s16+$0x0], $0xffff;
	v2 =	vadd.f32 v3, v2;
	v3 =	vmul.f32 v6, v16  }
0x98: {  	v6 =	vld.idx.msk [tilespmem:v7+s17+$0x0], $0xffff;
	v7 =	vor.u32 $0xD, v1  }
0x99: {  	v21 =	vld.idx.msk [tilespmem:v18+s14+$0x0], $0xffff;
	v2 =	vadd.f32 v3, v2;
	v3 =	vmul.f32 v5, v17  }
0x9a: {  	v5 =	vld.idx.msk [tilespmem:v18+s15+$0x0], $0xffff  }
0x9b: {  	v22 =	vld.idx.msk [tilespmem:v18+s16+$0x0], $0xffff;
	v2 =	vadd.f32 v3, v2;
	v3 =	vmul.f32 v4, v19  }
0x9c: {  	v23 =	vor.u32 $0xE, v1;
	v4 =	vld.idx.msk [tilespmem:v18+s17+$0x0], $0xffff  }
0x9d: {  	v24 =	vld.idx.msk [tilespmem:v7+s14+$0x0], $0xffff;
	v2 =	vadd.f32 v3, v2;
	v3 =	vmul.f32 v6, v20  }
0x9e: {  	v6 =	vld.idx.msk [tilespmem:v7+s15+$0x0], $0xffff  }
0x9f: {  	v25 =	vld.idx.msk [tilespmem:v7+s16+$0x0], $0xffff;
	v2 =	vadd.f32 v3, v2;
	v3 =	vmul.f32 v5, v21  }
0xa0: {  	v1 =	vor.u32 $0xF, v1;
	v5 =	vld.idx.msk [tilespmem:v7+s17+$0x0], $0xffff  }
0xa1: {  	v7 =	vld.idx.msk [tilespmem:v23+s14+$0x0], $0xffff;
	v2 =	vadd.f32 v3, v2;
	v3 =	vmul.f32 v4, v22  }
0xa2: {  	v4 =	vld.idx.msk [tilespmem:v23+s15+$0x0], $0xffff  }
0xa3: {  	v26 =	vld.idx.msk [tilespmem:v23+s16+$0x0], $0xffff;
	v2 =	vadd.f32 v3, v2;
	v3 =	vmul.f32 v6, v24  }
0xa4: {  	v6 =	vld.idx.msk [tilespmem:v23+s17+$0x0], $0xffff  }
0xa5: {  	v27 =	vld.idx.msk [tilespmem:v1+s14+$0x0], $0xffff;
	v2 =	vadd.f32 v3, v2;
	v3 =	vmul.f32 v5, v25  }
0xa6: {  	v5 =	vld.idx.msk [tilespmem:v1+s15+$0x0], $0xffff  }
0xa7: {  	v28 =	vld.idx.msk [tilespmem:v1+s16+$0x0], $0xffff;
	v2 =	vadd.f32 v3, v2;
	v3 =	vmul.f32 v4, v7  }
0xa8: {  	v1 =	vld.idx.msk [tilespmem:v1+s17+$0x0], $0xffff  }
0xa9: {  	v2 =	vadd.f32 v3, v2;
	v3 =	vmul.f32 v6, v26  }
0xaa: {  	s26 =	simm.s32 $0x10  }
0xab: {  	v4 =	vmov s26;
	v2 =	vadd.f32 v3, v2;
	v3 =	vmul.f32 v5, v27  }
0xac: {  	v4 =	vshll.u32 v4, $0x4  }
0xad: {  	v4 =	vor.u32 v0, v4;
	v1 =	vmul.f32 v1, v28;
	v2 =	vadd.f32 v3, v2;
	_ =	sdelay $0x1  }
0xae: {  	v1 =	vadd.f32 v1, v2;
	_ =	sdelay $0x1  }
0xaf: {  	v2 =	vor.u32 $0x1, v4;
	[tilespmem:s22+$0x0] =	vst v1  }
0xb0: {  	v1 =	vld.idx.msk [tilespmem:v4+s15+$0x0], $0xffff  }
0xb1: {  	v3 =	vld.idx.msk [tilespmem:v4+s14+$0x0], $0xffff  }
0xb2: {  	v5 =	vld.idx.msk [tilespmem:v4+s16+$0x0], $0xffff  }
0xb3: {  	v7 =	vor.u32 $0x2, v4;
	v6 =	vld.idx.msk [tilespmem:v4+s17+$0x0], $0xffff  }
0xb4: {  	v29 =	vld.idx.msk [tilespmem:v2+s14+$0x0], $0xffff  }
0xb5: {  	v30 =	vld.idx.msk [tilespmem:v2+s15+$0x0], $0xffff  }
0xb6: {  	v31 =	vld.idx.msk [tilespmem:v2+s16+$0x0], $0xffff;
	v1 =	vmul.f32 v1, v3  }
0xb7: {  	v2 =	vld.idx.msk [tilespmem:v2+s17+$0x0], $0xffff;
	v3 =	vor.u32 $0x3, v4  }
0xb8: {  	v32 =	vld.idx.msk [tilespmem:v7+s14+$0x0], $0xffff;
	v5 =	vmul.f32 v6, v5;
	v1 =	vadd.f32 $0.0e+00, v1  }
0xb9: {  	v6 =	vld.idx.msk [tilespmem:v7+s15+$0x0], $0xffff  }
0xba: {  	v33 =	vld.idx.msk [tilespmem:v7+s16+$0x0], $0xffff;
	v1 =	vadd.f32 v5, v1;
	v5 =	vmul.f32 v30, v29  }
0xbb: {  	v34 =	vor.u32 $0x4, v4;
	v7 =	vld.idx.msk [tilespmem:v7+s17+$0x0], $0xffff  }
0xbc: {  	v2 =	vmul.f32 v2, v31;
	v35 =	vld.idx.msk [tilespmem:v3+s14+$0x0], $0xffff;
	v1 =	vadd.f32 v5, v1  }
0xbd: {  	v5 =	vld.idx.msk [tilespmem:v3+s15+$0x0], $0xffff  }
0xbe: {  	v36 =	vld.idx.msk [tilespmem:v3+s16+$0x0], $0xffff;
	v1 =	vadd.f32 v2, v1;
	v2 =	vmul.f32 v6, v32  }
0xbf: {  	v3 =	vld.idx.msk [tilespmem:v3+s17+$0x0], $0xffff;
	v6 =	vor.u32 $0x5, v4  }
0xc0: {  	v37 =	vld.idx.msk [tilespmem:v34+s14+$0x0], $0xffff;
	v1 =	vadd.f32 v2, v1;
	v2 =	vmul.f32 v7, v33  }
0xc1: {  	v7 =	vld.idx.msk [tilespmem:v34+s15+$0x0], $0xffff  }
0xc2: {  	v38 =	vld.idx.msk [tilespmem:v34+s16+$0x0], $0xffff;
	v1 =	vadd.f32 v2, v1;
	v2 =	vmul.f32 v5, v35  }
0xc3: {  	v39 =	vor.u32 $0x6, v4;
	v5 =	vld.idx.msk [tilespmem:v34+s17+$0x0], $0xffff  }
0xc4: {  	v40 =	vld.idx.msk [tilespmem:v6+s14+$0x0], $0xffff;
	v1 =	vadd.f32 v2, v1;
	v2 =	vmul.f32 v3, v36  }
0xc5: {  	v3 =	vld.idx.msk [tilespmem:v6+s15+$0x0], $0xffff  }
0xc6: {  	v41 =	vld.idx.msk [tilespmem:v6+s16+$0x0], $0xffff;
	v1 =	vadd.f32 v2, v1;
	v2 =	vmul.f32 v7, v37  }
0xc7: {  	v6 =	vld.idx.msk [tilespmem:v6+s17+$0x0], $0xffff;
	v7 =	vor.u32 $0x7, v4  }
0xc8: {  	v42 =	vld.idx.msk [tilespmem:v39+s14+$0x0], $0xffff;
	v1 =	vadd.f32 v2, v1;
	v2 =	vmul.f32 v5, v38  }
0xc9: {  	v5 =	vld.idx.msk [tilespmem:v39+s15+$0x0], $0xffff  }
0xca: {  	v43 =	vld.idx.msk [tilespmem:v39+s16+$0x0], $0xffff;
	v1 =	vadd.f32 v2, v1;
	v2 =	vmul.f32 v3, v40  }
0xcb: {  	v44 =	vor.u32 $0x8, v4;
	v3 =	vld.idx.msk [tilespmem:v39+s17+$0x0], $0xffff  }
0xcc: {  	v45 =	vld.idx.msk [tilespmem:v7+s14+$0x0], $0xffff;
	v1 =	vadd.f32 v2, v1;
	v2 =	vmul.f32 v6, v41  }
0xcd: {  	v6 =	vld.idx.msk [tilespmem:v7+s15+$0x0], $0xffff  }
0xce: {  	v46 =	vld.idx.msk [tilespmem:v7+s16+$0x0], $0xffff;
	v1 =	vadd.f32 v2, v1;
	v2 =	vmul.f32 v5, v42  }
0xcf: {  	v5 =	vld.idx.msk [tilespmem:v7+s17+$0x0], $0xffff;
	v7 =	vor.u32 $0x9, v4  }
0xd0: {  	v47 =	vld.idx.msk [tilespmem:v44+s14+$0x0], $0xffff;
	v1 =	vadd.f32 v2, v1;
	v2 =	vmul.f32 v3, v43  }
0xd1: {  	v3 =	vld.idx.msk [tilespmem:v44+s15+$0x0], $0xffff  }
0xd2: {  	v48 =	vld.idx.msk [tilespmem:v44+s16+$0x0], $0xffff;
	v1 =	vadd.f32 v2, v1;
	v2 =	vmul.f32 v6, v45  }
0xd3: {  	v49 =	vor.u32 $0xA, v4;
	v6 =	vld.idx.msk [tilespmem:v44+s17+$0x0], $0xffff  }
0xd4: {  	v50 =	vld.idx.msk [tilespmem:v7+s14+$0x0], $0xffff;
	v1 =	vadd.f32 v2, v1;
	v2 =	vmul.f32 v5, v46  }
0xd5: {  	v5 =	vld.idx.msk [tilespmem:v7+s15+$0x0], $0xffff  }
0xd6: {  	v51 =	vld.idx.msk [tilespmem:v7+s16+$0x0], $0xffff;
	v1 =	vadd.f32 v2, v1;
	v2 =	vmul.f32 v3, v47  }
0xd7: {  	v3 =	vld.idx.msk [tilespmem:v7+s17+$0x0], $0xffff;
	v7 =	vor.u32 $0xB, v4  }
0xd8: {  	v52 =	vld.idx.msk [tilespmem:v49+s14+$0x0], $0xffff;
	v1 =	vadd.f32 v2, v1;
	v2 =	vmul.f32 v6, v48  }
0xd9: {  	v6 =	vld.idx.msk [tilespmem:v49+s15+$0x0], $0xffff  }
0xda: {  	v53 =	vld.idx.msk [tilespmem:v49+s16+$0x0], $0xffff;
	v1 =	vadd.f32 v2, v1;
	v2 =	vmul.f32 v5, v50  }
0xdb: {  	v54 =	vor.u32 $0xC, v4;
	v5 =	vld.idx.msk [tilespmem:v49+s17+$0x0], $0xffff  }
0xdc: {  	v55 =	vld.idx.msk [tilespmem:v7+s14+$0x0], $0xffff;
	v1 =	vadd.f32 v2, v1;
	v2 =	vmul.f32 v3, v51  }
0xdd: {  	v3 =	vld.idx.msk [tilespmem:v7+s15+$0x0], $0xffff  }
0xde: {  	v56 =	vld.idx.msk [tilespmem:v7+s16+$0x0], $0xffff;
	v1 =	vadd.f32 v2, v1;
	v2 =	vmul.f32 v6, v52  }
0xdf: {  	v6 =	vld.idx.msk [tilespmem:v7+s17+$0x0], $0xffff;
	v7 =	vor.u32 $0xD, v4  }
0xe0: {  	v57 =	vld.idx.msk [tilespmem:v54+s14+$0x0], $0xffff;
	v1 =	vadd.f32 v2, v1;
	v2 =	vmul.f32 v5, v53  }
0xe1: {  	v5 =	vld.idx.msk [tilespmem:v54+s15+$0x0], $0xffff  }
0xe2: {  	v58 =	vld.idx.msk [tilespmem:v54+s16+$0x0], $0xffff;
	v1 =	vadd.f32 v2, v1;
	v2 =	vmul.f32 v3, v55  }
0xe3: {  	v59 =	vor.u32 $0xE, v4;
	v3 =	vld.idx.msk [tilespmem:v54+s17+$0x0], $0xffff  }
0xe4: {  	v60 =	vld.idx.msk [tilespmem:v7+s14+$0x0], $0xffff;
	v1 =	vadd.f32 v2, v1;
	v2 =	vmul.f32 v6, v56  }
0xe5: {  	v6 =	vld.idx.msk [tilespmem:v7+s15+$0x0], $0xffff  }
0xe6: {  	v61 =	vld.idx.msk [tilespmem:v7+s16+$0x0], $0xffff;
	v1 =	vadd.f32 v2, v1;
	v2 =	vmul.f32 v5, v57  }
0xe7: {  	v5 =	vld.idx.msk [tilespmem:v7+s17+$0x0], $0xffff  }
0xe8: {  	v4 =	vor.u32 $0xF, v4;
	v7 =	vld.idx.msk [tilespmem:v59+s14+$0x0], $0xffff;
	v1 =	vadd.f32 v2, v1;
	v2 =	vmul.f32 v3, v58  }
0xe9: {  	v3 =	vld.idx.msk [tilespmem:v59+s15+$0x0], $0xffff  }
0xea: {  	v1 =	vadd.f32 v2, v1;
	v2 =	vmul.f32 v6, v60  }
0xeb: {  	v62 =	vld.idx.msk [tilespmem:v59+s16+$0x0], $0xffff  }
0xec: {  	v6 =	vld.idx.msk [tilespmem:v59+s17+$0x0], $0xffff;
	v1 =	vadd.f32 v2, v1;
	v2 =	vmul.f32 v5, v61  }
0xed: {  	v63 =	vld.idx.msk [tilespmem:v4+s14+$0x0], $0xffff  }
0xee: {  	v5 =	vld.idx.msk [tilespmem:v4+s15+$0x0], $0xffff;
	v1 =	vadd.f32 v2, v1;
	v2 =	vmul.f32 v3, v7  }
0xef: {  	v3 =	vld.idx.msk [tilespmem:v4+s17+$0x0], $0xffff  }
0xf0: {  	v1 =	vadd.f32 v2, v1;
	v2 =	vld.idx.msk [tilespmem:v4+s16+$0x0], $0xffff  }
0xf1: {  	v6 =	vmul.f32 v6, v62  }
0xf2: {  	s26 =	simm.s32 $0x20  }
0xf3: {  	v7 =	vmov s26;
	v5 =	vmul.f32 v5, v63;
	v4 =	vadd.f32 v6, v1  }
0xf4: {  	s28 =	simm.s32 $0x30;
	s26 =	simm.s32 $0x8400;
	v1 =	vshll.u32 v7, $0x4  }
.LBB2_2:
0xf5: {  	p0 =	sne.s32 s28, $0x1F0;
	v1 =	vor.u32 v0, v1;
	v4 =	vadd.f32 v5, v4;
	v2 =	vmul.f32 v3, v2;
	_ =	sdelay $0x1  }
0xf6: {  	v2 =	vadd.f32 v2, v4  }
0xf7: {  	s26 =	sadd.s32 $0x10, s26  }
0xf8: {  	v3 =	vor.u32 $0x1, v1;
	[tilespmem:s26+$0x0] =	vst v2  }
0xf9: {  	v2 =	vld.idx.msk [tilespmem:v1+s15+$0x0], $0xffff  }
0xfa: {  	v4 =	vld.idx.msk [tilespmem:v1+s14+$0x0], $0xffff  }
0xfb: {  	v5 =	vld.idx.msk [tilespmem:v1+s16+$0x0], $0xffff  }
0xfc: {  	v7 =	vor.u32 $0x2, v1;
	v6 =	vld.idx.msk [tilespmem:v1+s17+$0x0], $0xffff  }
0xfd: {  	v8 =	vld.idx.msk [tilespmem:v3+s14+$0x0], $0xffff  }
0xfe: {  	v9 =	vld.idx.msk [tilespmem:v3+s15+$0x0], $0xffff  }
0xff: {  	v10 =	vld.idx.msk [tilespmem:v3+s16+$0x0], $0xffff  }
0x100: {  	v2 =	vmul.f32 v2, v4;
	v4 =	vor.u32 $0x3, v1;
	v3 =	vld.idx.msk [tilespmem:v3+s17+$0x0], $0xffff  }
0x101: {  	v11 =	vld.idx.msk [tilespmem:v7+s14+$0x0], $0xffff  }
0x102: {  	v2 =	vadd.f32 $0.0e+00, v2;
	v5 =	vmul.f32 v6, v5;
	v6 =	vld.idx.msk [tilespmem:v7+s15+$0x0], $0xffff  }
0x103: {  	v12 =	vld.idx.msk [tilespmem:v7+s16+$0x0], $0xffff  }
0x104: {  	v2 =	vadd.f32 v5, v2;
	v5 =	vmul.f32 v9, v8;
	v8 =	vor.u32 $0x4, v1;
	v7 =	vld.idx.msk [tilespmem:v7+s17+$0x0], $0xffff  }
0x105: {  	v9 =	vld.idx.msk [tilespmem:v4+s14+$0x0], $0xffff  }
0x106: {  	v2 =	vadd.f32 v5, v2;
	v3 =	vmul.f32 v3, v10;
	v5 =	vld.idx.msk [tilespmem:v4+s15+$0x0], $0xffff  }
0x107: {  	v10 =	vld.idx.msk [tilespmem:v4+s16+$0x0], $0xffff  }
0x108: {  	v2 =	vadd.f32 v3, v2;
	v3 =	vmul.f32 v6, v11;
	v6 =	vor.u32 $0x5, v1;
	v4 =	vld.idx.msk [tilespmem:v4+s17+$0x0], $0xffff  }
0x109: {  	v11 =	vld.idx.msk [tilespmem:v8+s14+$0x0], $0xffff  }
0x10a: {  	v2 =	vadd.f32 v3, v2;
	v3 =	vmul.f32 v7, v12;
	v7 =	vld.idx.msk [tilespmem:v8+s15+$0x0], $0xffff  }
0x10b: {  	v12 =	vld.idx.msk [tilespmem:v8+s16+$0x0], $0xffff  }
0x10c: {  	v2 =	vadd.f32 v3, v2;
	v3 =	vmul.f32 v5, v9;
	v5 =	vld.idx.msk [tilespmem:v8+s17+$0x0], $0xffff;
	v8 =	vor.u32 $0x6, v1  }
0x10d: {  	v9 =	vld.idx.msk [tilespmem:v6+s14+$0x0], $0xffff  }
0x10e: {  	v2 =	vadd.f32 v3, v2;
	v3 =	vmul.f32 v4, v10;
	v4 =	vld.idx.msk [tilespmem:v6+s15+$0x0], $0xffff  }
0x10f: {  	v10 =	vld.idx.msk [tilespmem:v6+s16+$0x0], $0xffff  }
0x110: {  	v2 =	vadd.f32 v3, v2;
	v3 =	vmul.f32 v7, v11;
	v7 =	vor.u32 $0x7, v1;
	v6 =	vld.idx.msk [tilespmem:v6+s17+$0x0], $0xffff  }
0x111: {  	v11 =	vld.idx.msk [tilespmem:v8+s14+$0x0], $0xffff  }
0x112: {  	v2 =	vadd.f32 v3, v2;
	v3 =	vmul.f32 v5, v12;
	v5 =	vld.idx.msk [tilespmem:v8+s15+$0x0], $0xffff  }
0x113: {  	v12 =	vld.idx.msk [tilespmem:v8+s16+$0x0], $0xffff  }
0x114: {  	v2 =	vadd.f32 v3, v2;
	v3 =	vmul.f32 v4, v9;
	v4 =	vld.idx.msk [tilespmem:v8+s17+$0x0], $0xffff;
	v8 =	vor.u32 $0x8, v1  }
0x115: {  	v9 =	vld.idx.msk [tilespmem:v7+s14+$0x0], $0xffff  }
0x116: {  	v2 =	vadd.f32 v3, v2;
	v3 =	vmul.f32 v6, v10;
	v6 =	vld.idx.msk [tilespmem:v7+s15+$0x0], $0xffff  }
0x117: {  	v10 =	vld.idx.msk [tilespmem:v7+s16+$0x0], $0xffff  }
0x118: {  	v2 =	vadd.f32 v3, v2;
	v3 =	vmul.f32 v5, v11;
	v5 =	vld.idx.msk [tilespmem:v7+s17+$0x0], $0xffff;
	v7 =	vor.u32 $0x9, v1  }
0x119: {  	v11 =	vld.idx.msk [tilespmem:v8+s14+$0x0], $0xffff  }
0x11a: {  	v2 =	vadd.f32 v3, v2;
	v3 =	vmul.f32 v4, v12;
	v4 =	vld.idx.msk [tilespmem:v8+s15+$0x0], $0xffff  }
0x11b: {  	v12 =	vld.idx.msk [tilespmem:v8+s16+$0x0], $0xffff  }
0x11c: {  	v2 =	vadd.f32 v3, v2;
	v3 =	vmul.f32 v6, v9;
	v6 =	vld.idx.msk [tilespmem:v8+s17+$0x0], $0xffff;
	v8 =	vor.u32 $0xA, v1  }
0x11d: {  	v9 =	vld.idx.msk [tilespmem:v7+s14+$0x0], $0xffff  }
0x11e: {  	v2 =	vadd.f32 v3, v2;
	v3 =	vmul.f32 v5, v10;
	v5 =	vld.idx.msk [tilespmem:v7+s15+$0x0], $0xffff  }
0x11f: {  	v10 =	vld.idx.msk [tilespmem:v7+s16+$0x0], $0xffff  }
0x120: {  	v2 =	vadd.f32 v3, v2;
	v3 =	vmul.f32 v4, v11;
	v4 =	vld.idx.msk [tilespmem:v7+s17+$0x0], $0xffff;
	v7 =	vor.u32 $0xB, v1  }
0x121: {  	v11 =	vld.idx.msk [tilespmem:v8+s14+$0x0], $0xffff  }
0x122: {  	v2 =	vadd.f32 v3, v2;
	v3 =	vmul.f32 v6, v12;
	v6 =	vld.idx.msk [tilespmem:v8+s15+$0x0], $0xffff  }
0x123: {  	v12 =	vld.idx.msk [tilespmem:v8+s16+$0x0], $0xffff  }
0x124: {  	v2 =	vadd.f32 v3, v2;
	v3 =	vmul.f32 v5, v9;
	v5 =	vld.idx.msk [tilespmem:v8+s17+$0x0], $0xffff;
	v8 =	vor.u32 $0xC, v1  }
0x125: {  	v9 =	vld.idx.msk [tilespmem:v7+s14+$0x0], $0xffff  }
0x126: {  	v2 =	vadd.f32 v3, v2;
	v3 =	vmul.f32 v4, v10;
	v4 =	vld.idx.msk [tilespmem:v7+s15+$0x0], $0xffff  }
0x127: {  	v10 =	vld.idx.msk [tilespmem:v7+s16+$0x0], $0xffff  }
0x128: {  	v2 =	vadd.f32 v3, v2;
	v3 =	vmul.f32 v6, v11;
	v6 =	vld.idx.msk [tilespmem:v7+s17+$0x0], $0xffff;
	v7 =	vor.u32 $0xD, v1  }
0x129: {  	v11 =	vld.idx.msk [tilespmem:v8+s14+$0x0], $0xffff  }
0x12a: {  	v2 =	vadd.f32 v3, v2;
	v3 =	vmul.f32 v5, v12;
	v5 =	vld.idx.msk [tilespmem:v8+s15+$0x0], $0xffff  }
0x12b: {  	v12 =	vld.idx.msk [tilespmem:v8+s16+$0x0], $0xffff  }
0x12c: {  	v2 =	vadd.f32 v3, v2;
	v3 =	vmul.f32 v4, v9;
	v4 =	vld.idx.msk [tilespmem:v8+s17+$0x0], $0xffff;
	v8 =	vor.u32 $0xE, v1  }
0x12d: {  	v9 =	vld.idx.msk [tilespmem:v7+s14+$0x0], $0xffff  }
0x12e: {  	v2 =	vadd.f32 v3, v2;
	v3 =	vmul.f32 v6, v10;
	v6 =	vld.idx.msk [tilespmem:v7+s15+$0x0], $0xffff  }
0x12f: {  	v10 =	vld.idx.msk [tilespmem:v7+s16+$0x0], $0xffff  }
0x130: {  	v1 =	vor.u32 $0xF, v1;
	v2 =	vadd.f32 v3, v2;
	v3 =	vmul.f32 v5, v11;
	v5 =	vld.idx.msk [tilespmem:v7+s17+$0x0], $0xffff  }
0x131: {  	v7 =	vld.idx.msk [tilespmem:v8+s14+$0x0], $0xffff  }
0x132: {  	v2 =	vadd.f32 v3, v2;
	v3 =	vmul.f32 v4, v12;
	v4 =	vld.idx.msk [tilespmem:v8+s15+$0x0], $0xffff  }
0x133: {  	v11 =	vld.idx.msk [tilespmem:v8+s16+$0x0], $0xffff  }
0x134: {  	v2 =	vadd.f32 v3, v2;
	v3 =	vmul.f32 v6, v9;
	v6 =	vld.idx.msk [tilespmem:v8+s17+$0x0], $0xffff  }
0x135: {  	v8 =	vld.idx.msk [tilespmem:v1+s14+$0x0], $0xffff  }
0x136: {  	v3 =	vadd.f32 v3, v2;
	v5 =	vmul.f32 v5, v10;
	v9 =	vld.idx.msk [tilespmem:v1+s15+$0x0], $0xffff  }
0x137: {  	v2 =	vld.idx.msk [tilespmem:v1+s16+$0x0], $0xffff  }
0x138: {  	v5 =	vadd.f32 v5, v3;
	v4 =	vmul.f32 v4, v7;
	v3 =	vld.idx.msk [tilespmem:v1+s17+$0x0], $0xffff  }
.Ltmp0:
0x139: {  	(pc) =	sbr.rel @p0 .LBB2_2-.Ltmp0, $3  }
0x13a: {  	v1 =	vadd.f32 v4, v5;
	v4 =	vmul.f32 v6, v11;
	_ =	sdelay $0x1  }
0x13b: {  	v6 =	vmov s28;
	v4 =	vadd.f32 v4, v1;
	v5 =	vmul.f32 v9, v8  }
0x13c: {  	s28 =	sadd.s32 $0x10, s28;
	v1 =	vshll.u32 v6, $0x4  }
0x13d: {  	v1 =	vor.u32 v0, v1;
	v4 =	vadd.f32 v5, v4;
	v2 =	vmul.f32 v3, v2;
	_ =	sdelay $0x1  }
0x13e: {  	v2 =	vadd.f32 v2, v4  }
0x13f: {  	s26 =	sadd.s32 $0x10, s26  }
0x140: {  	v3 =	vor.u32 $0x1, v1;
	[tilespmem:s26+$0x0] =	vst v2  }
0x141: {  	v2 =	vld.idx.msk [tilespmem:v1+s15+$0x0], $0xffff  }
0x142: {  	v47 =	vld.idx.msk [tilespmem:v1+s14+$0x0], $0xffff  }
0x143: {  	v48 =	vld.idx.msk [tilespmem:v1+s16+$0x0], $0xffff  }
0x144: {  	v7 =	vor.u32 $0x2, v1;
	v6 =	vld.idx.msk [tilespmem:v1+s17+$0x0], $0xffff  }
0x145: {  	v8 =	vld.idx.msk [tilespmem:v3+s14+$0x0], $0xffff  }
0x146: {  	v9 =	vld.idx.msk [tilespmem:v3+s15+$0x0], $0xffff  }
0x147: {  	v10 =	vld.idx.msk [tilespmem:v3+s16+$0x0], $0xffff;
	v2 =	vmul.f32 v2, v47  }
0x148: {  	v49 =	vor.u32 $0x3, v1;
	v3 =	vld.idx.msk [tilespmem:v3+s17+$0x0], $0xffff  }
0x149: {  	v11 =	vld.idx.msk [tilespmem:v7+s14+$0x0], $0xffff;
	v5 =	vmul.f32 v6, v48;
	v2 =	vadd.f32 $0.0e+00, v2  }
0x14a: {  	v50 =	vld.idx.msk [tilespmem:v7+s15+$0x0], $0xffff  }
0x14b: {  	v12 =	vld.idx.msk [tilespmem:v7+s16+$0x0], $0xffff;
	v51 =	vmul.f32 v9, v8;
	v2 =	vadd.f32 v5, v2  }
0x14c: {  	v52 =	vor.u32 $0x4, v1;
	v7 =	vld.idx.msk [tilespmem:v7+s17+$0x0], $0xffff  }
0x14d: {  	v53 =	vld.idx.msk [tilespmem:v49+s14+$0x0], $0xffff;
	v3 =	vmul.f32 v3, v10;
	v2 =	vadd.f32 v51, v2  }
0x14e: {  	v54 =	vld.idx.msk [tilespmem:v49+s15+$0x0], $0xffff  }
0x14f: {  	v55 =	vld.idx.msk [tilespmem:v49+s16+$0x0], $0xffff;
	v2 =	vadd.f32 v3, v2;
	v3 =	vmul.f32 v50, v11  }
0x150: {  	v56 =	vor.u32 $0x5, v1;
	v4 =	vld.idx.msk [tilespmem:v49+s17+$0x0], $0xffff  }
0x151: {  	v57 =	vld.idx.msk [tilespmem:v52+s14+$0x0], $0xffff;
	v2 =	vadd.f32 v3, v2;
	v3 =	vmul.f32 v7, v12  }
0x152: {  	v58 =	vld.idx.msk [tilespmem:v52+s15+$0x0], $0xffff  }
0x153: {  	v59 =	vld.idx.msk [tilespmem:v52+s16+$0x0], $0xffff;
	v2 =	vadd.f32 v3, v2;
	v3 =	vmul.f32 v54, v53  }
0x154: {  	v61 =	vor.u32 $0x6, v1;
	v60 =	vld.idx.msk [tilespmem:v52+s17+$0x0], $0xffff  }
0x155: {  	v62 =	vld.idx.msk [tilespmem:v56+s14+$0x0], $0xffff;
	v2 =	vadd.f32 v3, v2;
	v3 =	vmul.f32 v4, v55  }
0x156: {  	v63 =	vld.idx.msk [tilespmem:v56+s15+$0x0], $0xffff  }
0x157: {  	v16 =	vld.idx.msk [tilespmem:v56+s16+$0x0], $0xffff;
	v2 =	vadd.f32 v3, v2;
	v3 =	vmul.f32 v58, v57  }
0x158: {  	v17 =	vor.u32 $0x7, v1;
	v6 =	vld.idx.msk [tilespmem:v56+s17+$0x0], $0xffff  }
0x159: {  	v18 =	vld.idx.msk [tilespmem:v61+s14+$0x0], $0xffff;
	v2 =	vadd.f32 v3, v2;
	v3 =	vmul.f32 v60, v59  }
0x15a: {  	v19 =	vld.idx.msk [tilespmem:v61+s15+$0x0], $0xffff  }
0x15b: {  	v20 =	vld.idx.msk [tilespmem:v61+s16+$0x0], $0xffff;
	v2 =	vadd.f32 v3, v2;
	v3 =	vmul.f32 v63, v62  }
0x15c: {  	v22 =	vor.u32 $0x8, v1;
	v21 =	vld.idx.msk [tilespmem:v61+s17+$0x0], $0xffff  }
0x15d: {  	v23 =	vld.idx.msk [tilespmem:v17+s14+$0x0], $0xffff;
	v2 =	vadd.f32 v3, v2;
	v3 =	vmul.f32 v6, v16  }
0x15e: {  	v24 =	vld.idx.msk [tilespmem:v17+s15+$0x0], $0xffff  }
0x15f: {  	v25 =	vld.idx.msk [tilespmem:v17+s16+$0x0], $0xffff;
	v2 =	vadd.f32 v3, v2;
	v3 =	vmul.f32 v19, v18  }
0x160: {  	v27 =	vor.u32 $0x9, v1;
	v26 =	vld.idx.msk [tilespmem:v17+s17+$0x0], $0xffff  }
0x161: {  	v28 =	vld.idx.msk [tilespmem:v22+s14+$0x0], $0xffff;
	v2 =	vadd.f32 v3, v2;
	v3 =	vmul.f32 v21, v20  }
0x162: {  	v29 =	vld.idx.msk [tilespmem:v22+s15+$0x0], $0xffff  }
0x163: {  	v30 =	vld.idx.msk [tilespmem:v22+s16+$0x0], $0xffff;
	v2 =	vadd.f32 v3, v2;
	v3 =	vmul.f32 v24, v23  }
0x164: {  	v32 =	vor.u32 $0xA, v1;
	v31 =	vld.idx.msk [tilespmem:v22+s17+$0x0], $0xffff  }
0x165: {  	v33 =	vld.idx.msk [tilespmem:v27+s14+$0x0], $0xffff;
	v2 =	vadd.f32 v3, v2;
	v3 =	vmul.f32 v26, v25  }
0x166: {  	v34 =	vld.idx.msk [tilespmem:v27+s15+$0x0], $0xffff  }
0x167: {  	v35 =	vld.idx.msk [tilespmem:v27+s16+$0x0], $0xffff;
	v2 =	vadd.f32 v3, v2;
	v3 =	vmul.f32 v29, v28  }
0x168: {  	v37 =	vor.u32 $0xB, v1;
	v36 =	vld.idx.msk [tilespmem:v27+s17+$0x0], $0xffff  }
0x169: {  	v38 =	vld.idx.msk [tilespmem:v32+s14+$0x0], $0xffff;
	v2 =	vadd.f32 v3, v2;
	v3 =	vmul.f32 v31, v30  }
0x16a: {  	v39 =	vld.idx.msk [tilespmem:v32+s15+$0x0], $0xffff  }
0x16b: {  	v40 =	vld.idx.msk [tilespmem:v32+s16+$0x0], $0xffff;
	v2 =	vadd.f32 v3, v2;
	v3 =	vmul.f32 v34, v33  }
0x16c: {  	v42 =	vor.u32 $0xC, v1;
	v41 =	vld.idx.msk [tilespmem:v32+s17+$0x0], $0xffff  }
0x16d: {  	v43 =	vld.idx.msk [tilespmem:v37+s14+$0x0], $0xffff;
	v2 =	vadd.f32 v3, v2;
	v3 =	vmul.f32 v36, v35  }
0x16e: {  	v44 =	vld.idx.msk [tilespmem:v37+s15+$0x0], $0xffff  }
0x16f: {  	v45 =	vld.idx.msk [tilespmem:v37+s16+$0x0], $0xffff;
	v2 =	vadd.f32 v3, v2;
	v3 =	vmul.f32 v39, v38  }
0x170: {  	v46 =	vld.idx.msk [tilespmem:v37+s17+$0x0], $0xffff;
	v47 =	vor.u32 $0xD, v1  }
0x171: {  	v49 =	vld.idx.msk [tilespmem:v42+s15+$0x0], $0xffff;
	v2 =	vadd.f32 v3, v2;
	v3 =	vmul.f32 v41, v40  }
0x172: {  	v48 =	vld.idx.msk [tilespmem:v42+s14+$0x0], $0xffff  }
0x173: {  	v51 =	vld.idx.msk [tilespmem:v42+s17+$0x0], $0xffff;
	v2 =	vadd.f32 v3, v2;
	v3 =	vmul.f32 v44, v43  }
0x174: {  	v52 =	vor.u32 $0xE, v1;
	v50 =	vld.idx.msk [tilespmem:v42+s16+$0x0], $0xffff  }
0x175: {  	v53 =	vld.idx.msk [tilespmem:v47+s14+$0x0], $0xffff;
	v2 =	vadd.f32 v3, v2;
	v3 =	vmul.f32 v46, v45  }
0x176: {  	v54 =	vld.idx.msk [tilespmem:v47+s15+$0x0], $0xffff  }
0x177: {  	v56 =	vld.idx.msk [tilespmem:v47+s17+$0x0], $0xffff;
	v2 =	vadd.f32 v3, v2;
	v3 =	vmul.f32 v49, v48  }
0x178: {  	v1 =	vor.u32 $0xF, v1;
	v55 =	vld.idx.msk [tilespmem:v47+s16+$0x0], $0xffff  }
0x179: {  	v57 =	vld.idx.msk [tilespmem:v52+s14+$0x0], $0xffff;
	v2 =	vadd.f32 v3, v2;
	v3 =	vmul.f32 v51, v50  }
0x17a: {  	v58 =	vld.idx.msk [tilespmem:v52+s15+$0x0], $0xffff  }
0x17b: {  	v59 =	vld.idx.msk [tilespmem:v52+s16+$0x0], $0xffff;
	v2 =	vadd.f32 v3, v2;
	v3 =	vmul.f32 v54, v53  }
0x17c: {  	v60 =	vld.idx.msk [tilespmem:v52+s17+$0x0], $0xffff  }
0x17d: {  	v61 =	vld.idx.msk [tilespmem:v1+s14+$0x0], $0xffff;
	v2 =	vadd.f32 v3, v2;
	v3 =	vmul.f32 v56, v55  }
0x17e: {  	v62 =	vld.idx.msk [tilespmem:v1+s15+$0x0], $0xffff  }
0x17f: {  	v63 =	vld.idx.msk [tilespmem:v1+s16+$0x0], $0xffff;
	v2 =	vadd.f32 v3, v2;
	v3 =	vmul.f32 v58, v57  }
0x180: {  	v1 =	vld.idx.msk [tilespmem:v1+s17+$0x0], $0xffff  }
0x181: {  	v2 =	vadd.f32 v3, v2;
	v3 =	vmul.f32 v60, v59;
	_ =	sdelay $0x1  }
0x182: {  	v2 =	vadd.f32 v3, v2;
	v3 =	vmul.f32 v62, v61;
	_ =	sdelay $0x1  }
0x183: {  	v1 =	vmul.f32 v1, v63;
	v2 =	vadd.f32 v3, v2;
	_ =	sdelay $0x1  }
0x184: {  	s24 =	sadd.s32 $0x1, s24;
	v1 =	vadd.f32 v1, v2  }
0x185: {  	p0 =	sne.s32 s24, s10;
	s26 =	sadd.s32 $0x10, s26  }
.Ltmp1:
0x186: {  	[tilespmem:s26+$0x0] =	vst v1;
	(pc) =	sbr.rel @p0 .LBB2_1-.Ltmp1, $4  }
0x187: {  	[hbm4b:s9+s1] =	stream.linear.scatter [tilespmem:s22], [sflag:$0x2], $0x200, $0x38;
	[tilespmem:$0x8600] =	vst v63  }
0x188: {  	_ =	swait.ge [sflag:s11], $0x200  }
0x189: {  	[sflag:s11] =	ssyncset.done $0x0  }
0x18a: {  	[sflag:s11] =	ssyncadd.s32 $0xFFFFFE00  }
0x18b: {  	_ =	sfence.sel $0x180000  }
0x18c: {  	[bflag:$0x0] =	sbarrier.arrive $0xFFFF  }
0x18d: {  	_ =	strace $0x90000047  }
0x18e: {  	s0 =	stileid.u32;
	[bflag:$0x2] =	sbarrier.arrive $0xFFFF  }
0x18f: {  	p0 =	sne.s32 s0, $0x0;
	s0 =	rddreg [dreg:$0x4]  }
0x190: {  	s0 =	sadd.s32 @!p0 $0x100000, s0  }
0x191: {  	[sflag:s0] =	ssyncadd.tile.s32 @!p0 $0x1;
	_ =	shalt  }
.Lfunc_end2:
_tile_overlayer_lowered:
.L_overlay_start_2:
0x192: {  	(tag) =	ssettag $0x2  }
0x193: {  	s0 =	rddreg [dreg:$0x0];
	s2 =	stileid.u32  }
0x194: {  	s1 =	rddreg [dreg:$0x1];
	p0 =	sne.s32 s2, $0x0  }
0x195: {  	s3 =	rddreg [dreg:$0x2];
	[bflag:$0x3] =	sbarrier.arrive $0xFFFF;
	s2 =	simm.s32 @!p0 $0x1C02  }
0x196: {  	[timem:s3], [sflag:s2] =	dma.local @!p0 [hbm:s0], s1  }
0x197: {  	s0 =	simm.s32 @!p0 $0x2  }
0x198: {  	_ =	swait.ge @!p0 [sflag:s0], s1  }
0x199: {  	s1 =	ssub.s32 @!p0 $0x0, s1;
	[sflag:s0] =	ssyncset.done @!p0 $0x0  }
0x19a: {  	[sflag:s0] =	ssyncadd.s32 @!p0 s1  }
0x19b: {  	[bflag:$0x3] =	sbarrier.arrive $0xFFFF  }
0x19c: {  	_ =	shalt  }

</sc_bundles>
